<compile_context>
chip_gen: v7x
topology: tpu7x:2x2x1
jax: 0.10.2.dev20260603
libtpu: 0.0.44.dev20260713+nightly
codegen_flags: <defaults>
</compile_context>

<pallas_src>
import functools

import jax
import jax.numpy as jnp
from jax import lax
from jax.experimental import pallas as pl
from jax.experimental.pallas import tpu as pltpu
from jax.experimental.pallas import tpu_sc as plsc

B = 1024
F = 1000
BIN = 10
D = 16
MAX_NORM = 1.0

NC, NS, L = 2, 16, 16
NW = NC * NS
NWIN = 8
NSPLIT = 4
TW = 128
FR = 200
NU = BIN * (F // FR)
VP = 1024
CB = (TW // 2) * VP


def _histogram_sc(idx_t):
    mesh = plsc.VectorSubcoreMesh(core_axis_name="c", subcore_axis_name="s")

    @functools.partial(
        pl.kernel,
        mesh=mesh,
        out_type=jax.ShapeDtypeStruct((NW * CB,), jnp.int32),
        scratch_types=[
            pltpu.VMEM((2, FR, TW), jnp.int32),
            pltpu.VMEM((CB,), jnp.int32),
            pltpu.SemaphoreType.DMA((2,)),
        ],
        compiler_params=pltpu.CompilerParams(needs_layout_passes=False),
    )
    def hist_kernel(idx_hbm, counts_hbm, stg, counts_v, sems):
        wid = lax.axis_index("s") * NC + lax.axis_index("c")
        wi = wid % NWIN
        s = wid // NWIN
        bwin = wi * TW
        nch = jnp.where(s < 2, 13, 12)
        ubase = jnp.where(s < 2, 13 * s, 12 * s + 2)
        zeros = jnp.zeros((L,), jnp.int32)
        lanes = lax.iota(jnp.int32, L)
        alt = (lanes & 1) * 65535 + 1

        def start(t):
            u = ubase + t
            j = u // (F // FR)
            f0 = (u % (F // FR)) * FR
            buf = t % 2
            pltpu.make_async_copy(
                idx_hbm.at[j, pl.ds(f0, FR), pl.ds(bwin, TW)],
                stg.at[buf],
                sems.at[buf],
            ).start()

        start(jnp.int32(0))

        @plsc.parallel_loop(0, CB // L, unroll=8)
        def _zero(k):
            counts_v[pl.ds(k * L, L)] = zeros

        bases = [((jnp.full((L,), g * L, jnp.int32) + lanes) // 2) * VP
                 for g in range(TW // L)]

        def chunk_body(t, _):
            @pl.when(t + 1 < nch)
            def _start_next():
                start(t + 1)

            buf = t % 2
            pltpu.make_async_copy(
                idx_hbm.at[0, pl.ds(0, FR), pl.ds(0, TW)],
                stg.at[buf],
                sems.at[buf],
            ).wait()

            @plsc.parallel_loop(0, FR, unroll=4)
            def _rows(r):
                for g in range(TW // L):
                    iv = stg[buf, r, pl.ds(g * L, L)]
                    plsc.addupdate_scatter(counts_v, [bases[g] + iv], alt)

            return _

        lax.fori_loop(0, nch, chunk_body, None)

        w2 = wi * NSPLIT + s
        pltpu.sync_copy(counts_v, counts_hbm.at[pl.ds(w2 * CB, CB)])

    return hist_kernel(idx_t)


def _finish_tc(partials, pos_table, val_pad):

    def body(p_ref, pos_ref, val_ref, out_ref):
        def renorm(t):
            n = jnp.sqrt(jnp.sum(t * t, axis=1, keepdims=True))
            return t * jnp.minimum(1.0, MAX_NORM / jnp.maximum(n, 1e-12))

        val_r = renorm(val_ref[...])
        pos_r = renorm(pos_ref[...])
        pos_mean = jnp.sum(pos_r, axis=0, keepdims=True) * (1.0 / F)
        p = p_ref[...].reshape(NWIN, NSPLIT, TW // 2, VP // TW, TW)
        ps = p.sum(axis=1)
        nrows = NWIN * (TW // 2)
        out_even = jnp.zeros((nrows, D), jnp.float32)
        out_odd = jnp.zeros((nrows, D), jnp.float32)
        for vb in range(VP // TW):
            blk = ps[:, :, vb, :].reshape(nrows, TW)
            low = (blk & 0xFFFF).astype(jnp.float32)
            high = lax.shift_right_logical(blk, 16).astype(jnp.float32)
            vrows = val_r[vb * TW:(vb + 1) * TW, :]
            out_even = out_even + jnp.dot(low, vrows, preferred_element_type=jnp.float32)
            out_odd = out_odd + jnp.dot(high, vrows, preferred_element_type=jnp.float32)
        both = jnp.stack([out_even, out_odd], axis=1)
        out = both.reshape(B, D) * (1.0 / F) + pos_mean
        out_ref[...] = out.T

    return pl.pallas_call(
        body,
        out_shape=jax.ShapeDtypeStruct((D, B), jnp.float32),
    )(partials, pos_table, val_pad)


def kernel(input_tensor, pos_table, val_table):
    idx_t = input_tensor.transpose(2, 1, 0)
    partials = _histogram_sc(idx_t).reshape(NW * CB // TW, TW)
    val_pad = jnp.pad(val_table, ((0, VP - F), (0, 0)))
    return _finish_tc(partials, pos_table, val_pad).T

# --- scband reference (transcript-rebuilt; emitter-appended) ---
"""Pipeline reference for scband-most-simple-cell-encoder-15891378995346 (READ-ONLY COPY).

The authoritative reference and input builder live on the scoring server;
editing this copy changes nothing except your own understanding.
"""

import jax, jax.numpy as jnp
import numpy as np

BATCH = 1024
FEATURE_LEN = 1000
EMB_DIM = 16
BIN_LEN = 10
MAX_NORM = 1.0  # emb_normalization=True -> max_norm=1 in torch nn.Embedding/EmbeddingBag


def _renorm(table, max_norm=MAX_NORM):
    # torch max_norm semantics: rows whose L2 norm exceeds max_norm are rescaled to max_norm.
    norms = jnp.linalg.norm(table, axis=1, keepdims=True)
    scale = jnp.minimum(1.0, max_norm / jnp.maximum(norms, 1e-12))
    return table * scale


def setup_inputs(seed: int = 0) -> dict:
    key = jax.random.key(seed)
    k1, k2, k3 = jax.random.split(key, 3)
    input_tensor = jax.random.randint(k1, (BATCH, FEATURE_LEN, BIN_LEN), 0, FEATURE_LEN, dtype=jnp.int32)
    pos_table = jax.random.normal(k2, (FEATURE_LEN, EMB_DIM), dtype=jnp.float32)
    val_table = jax.random.normal(k3, (FEATURE_LEN, EMB_DIM), dtype=jnp.float32)
    return {"input_tensor": input_tensor, "pos_table": pos_table, "val_table": val_table}


def reference(input_tensor, pos_table, val_table):
    # input_tensor: int32[B, feature_len, bin_len] -- per docstring, indices of set bits
    # in the binary representation of each feature value.
    pos_t = _renorm(pos_table)
    val_t = _renorm(val_table)
    # EmbeddingBag with mode='sum' over the bin dimension: gather then sum.
    val_emb = jnp.take(val_t, input_tensor, axis=0).sum(axis=2)  # [B, F, D]
    # Positional embedding of each feature slot.
    pos_emb = jnp.take(pos_t, jnp.arange(input_tensor.shape[1]), axis=0)  # [F, D]
    emb = jnp.mean(val_emb + pos_emb[None, :, :], axis=1)  # [B, D]
    return emb

if __name__ == "__main__":
    import jax
    _d = setup_inputs()
    print(jax.jit(kernel)(*tuple(_d.values())))

</pallas_src>

<mosaic_0001>
#map = affine_map<(d0, d1) -> (0, 0, 0)>
#map1 = affine_map<(d0, d1) -> (0)>
module attributes {stable_mosaic.version = 14 : i64} {
  func.func @hist_kernel(%arg0: i32, %arg1: i32, %arg2: memref<10x1000x1024xi32, #tpu.memory_space<hbm>>, %arg3: memref<2097152xi32, #tpu.memory_space<hbm>>, %arg4: memref<2x200x128xi32, #tpu.memory_space<vmem>>, %arg5: memref<65536xi32, #tpu.memory_space<vmem>>, %arg6: memref<2x!tpu.dma_semaphore, #tpu.memory_space<semaphore_mem>>) attributes {dimension_semantics = [#tpu.dimension_semantics<core_parallel>, #tpu.dimension_semantics<subcore_parallel>], iteration_bounds = array<i64: 2, 16>, scalar_prefetch = 0 : i64, scratch_operands = 3 : i64, tpu.core_type = #tpu.core_type<sc_vector_subcore>, window_params = [{transform_indices = #map}, {transform_indices = #map1}]} {
    %mul3A = arith.constant 2 : i32
    %mul3A_0 = arith.muli %arg1, %mul3A : i32
    %add3A = arith.addi %mul3A_0, %arg0 : i32
    %jit3A = arith.constant 8 : i32
    %eq3A = arith.constant 0 : i32
    %eq3A_1 = arith.cmpi eq, %jit3A, %eq3A : i32
    %jit3A_2 = arith.constant 1 : i32
    %select_n3A = arith.select %eq3A_1, %jit3A_2, %jit3A : i32
    %rem3A = arith.remsi %add3A, %select_n3A : i32
    %ne3A = arith.constant 0 : i32
    %ne3A_3 = arith.cmpi ne, %rem3A, %ne3A : i32
    %lt3A = arith.constant 0 : i32
    %lt3A_4 = arith.cmpi slt, %rem3A, %lt3A : i32
    %lt3A_5 = arith.constant 0 : i32
    %lt3A_6 = arith.cmpi slt, %select_n3A, %lt3A_5 : i32
    %ne3A_7 = arith.xori %lt3A_4, %lt3A_6 : i1
    %and3A = arith.andi %ne3A_7, %ne3A_3 : i1
    %add3A_8 = arith.addi %rem3A, %select_n3A : i32
    %select_n3A_9 = arith.select %and3A, %add3A_8, %rem3A : i32
    %jit3A_10 = arith.constant 8 : i32
    %div3A = arith.divsi %add3A, %jit3A_10 : i32
    %sign3A = arith.constant 0 : i32
    %sign3A_11 = arith.cmpi sgt, %add3A, %sign3A : i32
    %sign3A_12 = arith.extui %sign3A_11 : i1 to i32
    %sign3A_13 = arith.constant 0 : i32
    %sign3A_14 = arith.cmpi slt, %add3A, %sign3A_13 : i32
    %sign3A_15 = arith.extui %sign3A_14 : i1 to i32
    %sign3A_16 = arith.subi %sign3A_12, %sign3A_15 : i32
    %sign3A_17 = arith.constant 0 : i32
    %sign3A_18 = arith.cmpi sgt, %jit3A_10, %sign3A_17 : i32
    %sign3A_19 = arith.extui %sign3A_18 : i1 to i32
    %sign3A_20 = arith.constant 0 : i32
    %sign3A_21 = arith.cmpi slt, %jit3A_10, %sign3A_20 : i32
    %sign3A_22 = arith.extui %sign3A_21 : i1 to i32
    %sign3A_23 = arith.subi %sign3A_19, %sign3A_22 : i32
    %ne3A_24 = arith.cmpi ne, %sign3A_16, %sign3A_23 : i32
    %rem3A_25 = arith.remsi %add3A, %jit3A_10 : i32
    %ne3A_26 = arith.constant 0 : i32
    %ne3A_27 = arith.cmpi ne, %rem3A_25, %ne3A_26 : i32
    %and3A_28 = arith.andi %ne3A_24, %ne3A_27 : i1
    %sub3A = arith.constant 1 : i32
    %sub3A_29 = arith.subi %div3A, %sub3A : i32
    %select_n3A_30 = arith.select %and3A_28, %sub3A_29, %div3A : i32
    %mul3A_31 = arith.constant 128 : i32
    %mul3A_32 = arith.muli %select_n3A_9, %mul3A_31 : i32
    %lt3A_33 = arith.constant 2 : i32
    %lt3A_34 = arith.cmpi slt, %select_n3A_30, %lt3A_33 : i32
    %jit3A_35 = arith.constant 13 : i32
    %jit3A_36 = arith.constant 12 : i32
    %select_n3A_37 = arith.select %lt3A_34, %jit3A_35, %jit3A_36 : i32
    %lt3A_38 = arith.constant 2 : i32
    %lt3A_39 = arith.cmpi slt, %select_n3A_30, %lt3A_38 : i32
    %mul3A_40 = arith.constant 13 : i32
    %mul3A_41 = arith.muli %mul3A_40, %select_n3A_30 : i32
    %mul3A_42 = arith.constant 12 : i32
    %mul3A_43 = arith.muli %mul3A_42, %select_n3A_30 : i32
    %add3A_44 = arith.constant 2 : i32
    %add3A_45 = arith.addi %mul3A_43, %add3A_44 : i32
    %select_n3A_46 = arith.select %lt3A_39, %mul3A_41, %add3A_45 : i32
    %broadcast_in_dim3A = arith.constant 0 : i32
    %broadcast_in_dim3A_47 = vector.broadcast %broadcast_in_dim3A : i32 to vector<16xi32>
    %iota3A = tpu.iota {dimensions = array<i32: 0>} : vector<16xi32>
    %and3A_48 = arith.constant 1 : i32
    %and3A_49 = vector.broadcast %and3A_48 : i32 to vector<16xi32>
    %and3A_50 = arith.andi %iota3A, %and3A_49 : vector<16xi32>
    %mul3A_51 = arith.constant 65535 : i32
    %mul3A_52 = vector.broadcast %mul3A_51 : i32 to vector<16xi32>
    %mul3A_53 = arith.muli %and3A_50, %mul3A_52 : vector<16xi32>
    %add3A_54 = arith.constant 1 : i32
    %add3A_55 = vector.broadcast %add3A_54 : i32 to vector<16xi32>
    %add3A_56 = arith.addi %mul3A_53, %add3A_55 : vector<16xi32>
    %add3A_57 = arith.constant 0 : i32
    %add3A_58 = arith.addi %select_n3A_46, %add3A_57 : i32
    %jit3A_59 = arith.constant 5 : i32
    %div3A_60 = arith.divsi %add3A_58, %jit3A_59 : i32
    %sign3A_61 = arith.constant 0 : i32
    %sign3A_62 = arith.cmpi sgt, %add3A_58, %sign3A_61 : i32
    %sign3A_63 = arith.extui %sign3A_62 : i1 to i32
    %sign3A_64 = arith.constant 0 : i32
    %sign3A_65 = arith.cmpi slt, %add3A_58, %sign3A_64 : i32
    %sign3A_66 = arith.extui %sign3A_65 : i1 to i32
    %sign3A_67 = arith.subi %sign3A_63, %sign3A_66 : i32
    %sign3A_68 = arith.constant 0 : i32
    %sign3A_69 = arith.cmpi sgt, %jit3A_59, %sign3A_68 : i32
    %sign3A_70 = arith.extui %sign3A_69 : i1 to i32
    %sign3A_71 = arith.constant 0 : i32
    %sign3A_72 = arith.cmpi slt, %jit3A_59, %sign3A_71 : i32
    %sign3A_73 = arith.extui %sign3A_72 : i1 to i32
    %sign3A_74 = arith.subi %sign3A_70, %sign3A_73 : i32
    %ne3A_75 = arith.cmpi ne, %sign3A_67, %sign3A_74 : i32
    %rem3A_76 = arith.remsi %add3A_58, %jit3A_59 : i32
    %ne3A_77 = arith.constant 0 : i32
    %ne3A_78 = arith.cmpi ne, %rem3A_76, %ne3A_77 : i32
    %and3A_79 = arith.andi %ne3A_75, %ne3A_78 : i1
    %sub3A_80 = arith.constant 1 : i32
    %sub3A_81 = arith.subi %div3A_60, %sub3A_80 : i32
    %select_n3A_82 = arith.select %and3A_79, %sub3A_81, %div3A_60 : i32
    %jit3A_83 = arith.constant 5 : i32
    %eq3A_84 = arith.constant 0 : i32
    %eq3A_85 = arith.cmpi eq, %jit3A_83, %eq3A_84 : i32
    %jit3A_86 = arith.constant 1 : i32
    %select_n3A_87 = arith.select %eq3A_85, %jit3A_86, %jit3A_83 : i32
    %rem3A_88 = arith.remsi %add3A_58, %select_n3A_87 : i32
    %ne3A_89 = arith.constant 0 : i32
    %ne3A_90 = arith.cmpi ne, %rem3A_88, %ne3A_89 : i32
    %lt3A_91 = arith.constant 0 : i32
    %lt3A_92 = arith.cmpi slt, %rem3A_88, %lt3A_91 : i32
    %lt3A_93 = arith.constant 0 : i32
    %lt3A_94 = arith.cmpi slt, %select_n3A_87, %lt3A_93 : i32
    %ne3A_95 = arith.xori %lt3A_92, %lt3A_94 : i1
    %and3A_96 = arith.andi %ne3A_95, %ne3A_90 : i1
    %add3A_97 = arith.addi %rem3A_88, %select_n3A_87 : i32
    %select_n3A_98 = arith.select %and3A_96, %add3A_97, %rem3A_88 : i32
    %mul3A_99 = arith.constant 200 : i32
    %mul3A_100 = arith.muli %select_n3A_98, %mul3A_99 : i32
    %jit3A_101 = arith.constant 0 : i32
    %jit3A_102 = arith.constant 2 : i32
    %eq3A_103 = arith.constant 0 : i32
    %eq3A_104 = arith.cmpi eq, %jit3A_102, %eq3A_103 : i32
    %jit3A_105 = arith.constant 1 : i32
    %select_n3A_106 = arith.select %eq3A_104, %jit3A_105, %jit3A_102 : i32
    %rem3A_107 = arith.remsi %jit3A_101, %select_n3A_106 : i32
    %ne3A_108 = arith.constant 0 : i32
    %ne3A_109 = arith.cmpi ne, %rem3A_107, %ne3A_108 : i32
    %lt3A_110 = arith.constant 0 : i32
    %lt3A_111 = arith.cmpi slt, %rem3A_107, %lt3A_110 : i32
    %lt3A_112 = arith.constant 0 : i32
    %lt3A_113 = arith.cmpi slt, %select_n3A_106, %lt3A_112 : i32
    %ne3A_114 = arith.xori %lt3A_111, %lt3A_113 : i1
    %and3A_115 = arith.andi %ne3A_114, %ne3A_109 : i1
    %add3A_116 = arith.addi %rem3A_107, %select_n3A_106 : i32
    %select_n3A_117 = arith.select %and3A_115, %add3A_116, %rem3A_107 : i32
    %dma_start3A = arith.constant 0 : i32
    %dma_start3A_118 = arith.constant 0 : i32
    %dma_start3A_119 = tpu.memref_slice %arg4[%select_n3A_117, %dma_start3A, %dma_start3A_118] : memref<2x200x128xi32, #tpu.memory_space<vmem>> -> memref<1x200x128xi32, #tpu.memory_space<vmem>>
    %dma_start3A_120 = tpu.memref_squeeze %dma_start3A_119 : memref<1x200x128xi32, #tpu.memory_space<vmem>> -> memref<200x128xi32, #tpu.memory_space<vmem>>
    %dma_start3A_121 = tpu.memref_slice %arg2[%select_n3A_82, %mul3A_100, %mul3A_32] : memref<10x1000x1024xi32, #tpu.memory_space<hbm>> -> memref<1x200x128xi32, #tpu.memory_space<hbm>>
    %dma_start3A_122 = tpu.memref_squeeze %dma_start3A_121 : memref<1x200x128xi32, #tpu.memory_space<hbm>> -> memref<200x128xi32, #tpu.memory_space<hbm>>
    %dma_start3A_123 = tpu.memref_slice %arg6[%select_n3A_117] : memref<2x!tpu.dma_semaphore, #tpu.memory_space<semaphore_mem>> -> memref<1x!tpu.dma_semaphore, #tpu.memory_space<semaphore_mem>>
    %dma_start3A_124 = tpu.memref_squeeze %dma_start3A_123 : memref<1x!tpu.dma_semaphore, #tpu.memory_space<semaphore_mem>> -> memref<!tpu.dma_semaphore, #tpu.memory_space<semaphore_mem>>
    %dma_start3A_125 = arith.constant 0 : i32
    %dma_start3A_126 = arith.constant 0 : i32
    %dma_start3A_127 = tpu.memref_slice %arg4[%select_n3A_117, %dma_start3A_125, %dma_start3A_126] : memref<2x200x128xi32, #tpu.memory_space<vmem>> -> memref<1x200x128xi32, #tpu.memory_space<vmem>>
    %dma_start3A_128 = tpu.memref_squeeze %dma_start3A_127 : memref<1x200x128xi32, #tpu.memory_space<vmem>> -> memref<200x128xi32, #tpu.memory_space<vmem>>
    %dma_start3A_129 = tpu.memref_slice %arg2[%select_n3A_82, %mul3A_100, %mul3A_32] : memref<10x1000x1024xi32, #tpu.memory_space<hbm>> -> memref<1x200x128xi32, #tpu.memory_space<hbm>>
    %dma_start3A_130 = tpu.memref_squeeze %dma_start3A_129 : memref<1x200x128xi32, #tpu.memory_space<hbm>> -> memref<200x128xi32, #tpu.memory_space<hbm>>
    tpu.enqueue_dma source(%dma_start3A_130 : memref<200x128xi32, #tpu.memory_space<hbm>>) target(%dma_start3A_128 : memref<200x128xi32, #tpu.memory_space<vmem>>) target_semaphore(%dma_start3A_124 : memref<!tpu.dma_semaphore, #tpu.memory_space<semaphore_mem>>)
    %parallel_loop3A = arith.constant 0 : i32
    %parallel_loop3A_131 = arith.constant 4096 : i32
    %parallel_loop3A_132 = arith.constant 1 : i32
    scf.for %parallel_loop3A_442 = %parallel_loop3A to %parallel_loop3A_131 step %parallel_loop3A_132  : i32 {
      %parallel_loop3A_443 = arith.constant 16 : i32
      %parallel_loop3A_444 = arith.muli %parallel_loop3A_442, %parallel_loop3A_443 : i32
      %parallel_loop3A_445 = arith.index_cast %parallel_loop3A_444 : i32 to index
      %parallel_loop3A_446 = tpu.vector_load %arg5[%parallel_loop3A_445] {strides = array<i32>} : memref<65536xi32, #tpu.memory_space<vmem>>, vector<16xi32>,
      tpu.vector_store %arg5[%parallel_loop3A_445], %broadcast_in_dim3A_47 {strides = array<i32>} : memref<65536xi32, #tpu.memory_space<vmem>>, vector<16xi32>,
    } {sc.loop_unroll_factor = 8 : i64, sc.parallel_access}
    %broadcast_in_dim3A_133 = arith.constant 0 : i32
    %broadcast_in_dim3A_134 = vector.broadcast %broadcast_in_dim3A_133 : i32 to vector<16xi32>
    %add3A_135 = arith.addi %broadcast_in_dim3A_134, %iota3A : vector<16xi32>
    %jit3A_136 = arith.constant 2 : i32
    %div3A_137 = vector.broadcast %jit3A_136 : i32 to vector<16xi32>
    %div3A_138 = arith.divsi %add3A_135, %div3A_137 : vector<16xi32>
    %sign3A_139 = arith.constant 0 : i32
    %sign3A_140 = vector.broadcast %sign3A_139 : i32 to vector<16xi32>
    %sign3A_141 = arith.cmpi sgt, %add3A_135, %sign3A_140 : vector<16xi32>
    %sign3A_142 = arith.extui %sign3A_141 : vector<16xi1> to vector<16xi32>
    %sign3A_143 = arith.constant 0 : i32
    %sign3A_144 = vector.broadcast %sign3A_143 : i32 to vector<16xi32>
    %sign3A_145 = arith.cmpi slt, %add3A_135, %sign3A_144 : vector<16xi32>
    %sign3A_146 = arith.extui %sign3A_145 : vector<16xi1> to vector<16xi32>
    %sign3A_147 = arith.subi %sign3A_142, %sign3A_146 : vector<16xi32>
    %sign3A_148 = arith.constant 0 : i32
    %sign3A_149 = arith.cmpi sgt, %jit3A_136, %sign3A_148 : i32
    %sign3A_150 = arith.extui %sign3A_149 : i1 to i32
    %sign3A_151 = arith.constant 0 : i32
    %sign3A_152 = arith.cmpi slt, %jit3A_136, %sign3A_151 : i32
    %sign3A_153 = arith.extui %sign3A_152 : i1 to i32
    %sign3A_154 = arith.subi %sign3A_150, %sign3A_153 : i32
    %ne3A_155 = vector.broadcast %sign3A_154 : i32 to vector<16xi32>
    %ne3A_156 = arith.cmpi ne, %sign3A_147, %ne3A_155 : vector<16xi32>
    %rem3A_157 = vector.broadcast %jit3A_136 : i32 to vector<16xi32>
    %rem3A_158 = arith.remsi %add3A_135, %rem3A_157 : vector<16xi32>
    %ne3A_159 = arith.constant 0 : i32
    %ne3A_160 = vector.broadcast %ne3A_159 : i32 to vector<16xi32>
    %ne3A_161 = arith.cmpi ne, %rem3A_158, %ne3A_160 : vector<16xi32>
    %and3A_162 = arith.andi %ne3A_156, %ne3A_161 : vector<16xi1>
    %sub3A_163 = arith.constant 1 : i32
    %sub3A_164 = vector.broadcast %sub3A_163 : i32 to vector<16xi32>
    %sub3A_165 = arith.subi %div3A_138, %sub3A_164 : vector<16xi32>
    %select_n3A_166 = arith.select %and3A_162, %sub3A_165, %div3A_138 : vector<16xi1>, vector<16xi32>
    %mul3A_167 = arith.constant 1024 : i32
    %mul3A_168 = vector.broadcast %mul3A_167 : i32 to vector<16xi32>
    %mul3A_169 = arith.muli %select_n3A_166, %mul3A_168 : vector<16xi32>
    %broadcast_in_dim3A_170 = arith.constant 16 : i32
    %broadcast_in_dim3A_171 = vector.broadcast %broadcast_in_dim3A_170 : i32 to vector<16xi32>
    %add3A_172 = arith.addi %broadcast_in_dim3A_171, %iota3A : vector<16xi32>
    %jit3A_173 = arith.constant 2 : i32
    %div3A_174 = vector.broadcast %jit3A_173 : i32 to vector<16xi32>
    %div3A_175 = arith.divsi %add3A_172, %div3A_174 : vector<16xi32>
    %sign3A_176 = arith.constant 0 : i32
    %sign3A_177 = vector.broadcast %sign3A_176 : i32 to vector<16xi32>
    %sign3A_178 = arith.cmpi sgt, %add3A_172, %sign3A_177 : vector<16xi32>
    %sign3A_179 = arith.extui %sign3A_178 : vector<16xi1> to vector<16xi32>
    %sign3A_180 = arith.constant 0 : i32
    %sign3A_181 = vector.broadcast %sign3A_180 : i32 to vector<16xi32>
    %sign3A_182 = arith.cmpi slt, %add3A_172, %sign3A_181 : vector<16xi32>
    %sign3A_183 = arith.extui %sign3A_182 : vector<16xi1> to vector<16xi32>
    %sign3A_184 = arith.subi %sign3A_179, %sign3A_183 : vector<16xi32>
    %sign3A_185 = arith.constant 0 : i32
    %sign3A_186 = arith.cmpi sgt, %jit3A_173, %sign3A_185 : i32
    %sign3A_187 = arith.extui %sign3A_186 : i1 to i32
    %sign3A_188 = arith.constant 0 : i32
    %sign3A_189 = arith.cmpi slt, %jit3A_173, %sign3A_188 : i32
    %sign3A_190 = arith.extui %sign3A_189 : i1 to i32
    %sign3A_191 = arith.subi %sign3A_187, %sign3A_190 : i32
    %ne3A_192 = vector.broadcast %sign3A_191 : i32 to vector<16xi32>
    %ne3A_193 = arith.cmpi ne, %sign3A_184, %ne3A_192 : vector<16xi32>
    %rem3A_194 = vector.broadcast %jit3A_173 : i32 to vector<16xi32>
    %rem3A_195 = arith.remsi %add3A_172, %rem3A_194 : vector<16xi32>
    %ne3A_196 = arith.constant 0 : i32
    %ne3A_197 = vector.broadcast %ne3A_196 : i32 to vector<16xi32>
    %ne3A_198 = arith.cmpi ne, %rem3A_195, %ne3A_197 : vector<16xi32>
    %and3A_199 = arith.andi %ne3A_193, %ne3A_198 : vector<16xi1>
    %sub3A_200 = arith.constant 1 : i32
    %sub3A_201 = vector.broadcast %sub3A_200 : i32 to vector<16xi32>
    %sub3A_202 = arith.subi %div3A_175, %sub3A_201 : vector<16xi32>
    %select_n3A_203 = arith.select %and3A_199, %sub3A_202, %div3A_175 : vector<16xi1>, vector<16xi32>
    %mul3A_204 = arith.constant 1024 : i32
    %mul3A_205 = vector.broadcast %mul3A_204 : i32 to vector<16xi32>
    %mul3A_206 = arith.muli %select_n3A_203, %mul3A_205 : vector<16xi32>
    %broadcast_in_dim3A_207 = arith.constant 32 : i32
    %broadcast_in_dim3A_208 = vector.broadcast %broadcast_in_dim3A_207 : i32 to vector<16xi32>
    %add3A_209 = arith.addi %broadcast_in_dim3A_208, %iota3A : vector<16xi32>
    %jit3A_210 = arith.constant 2 : i32
    %div3A_211 = vector.broadcast %jit3A_210 : i32 to vector<16xi32>
    %div3A_212 = arith.divsi %add3A_209, %div3A_211 : vector<16xi32>
    %sign3A_213 = arith.constant 0 : i32
    %sign3A_214 = vector.broadcast %sign3A_213 : i32 to vector<16xi32>
    %sign3A_215 = arith.cmpi sgt, %add3A_209, %sign3A_214 : vector<16xi32>
    %sign3A_216 = arith.extui %sign3A_215 : vector<16xi1> to vector<16xi32>
    %sign3A_217 = arith.constant 0 : i32
    %sign3A_218 = vector.broadcast %sign3A_217 : i32 to vector<16xi32>
    %sign3A_219 = arith.cmpi slt, %add3A_209, %sign3A_218 : vector<16xi32>
    %sign3A_220 = arith.extui %sign3A_219 : vector<16xi1> to vector<16xi32>
    %sign3A_221 = arith.subi %sign3A_216, %sign3A_220 : vector<16xi32>
    %sign3A_222 = arith.constant 0 : i32
    %sign3A_223 = arith.cmpi sgt, %jit3A_210, %sign3A_222 : i32
    %sign3A_224 = arith.extui %sign3A_223 : i1 to i32
    %sign3A_225 = arith.constant 0 : i32
    %sign3A_226 = arith.cmpi slt, %jit3A_210, %sign3A_225 : i32
    %sign3A_227 = arith.extui %sign3A_226 : i1 to i32
    %sign3A_228 = arith.subi %sign3A_224, %sign3A_227 : i32
    %ne3A_229 = vector.broadcast %sign3A_228 : i32 to vector<16xi32>
    %ne3A_230 = arith.cmpi ne, %sign3A_221, %ne3A_229 : vector<16xi32>
    %rem3A_231 = vector.broadcast %jit3A_210 : i32 to vector<16xi32>
    %rem3A_232 = arith.remsi %add3A_209, %rem3A_231 : vector<16xi32>
    %ne3A_233 = arith.constant 0 : i32
    %ne3A_234 = vector.broadcast %ne3A_233 : i32 to vector<16xi32>
    %ne3A_235 = arith.cmpi ne, %rem3A_232, %ne3A_234 : vector<16xi32>
    %and3A_236 = arith.andi %ne3A_230, %ne3A_235 : vector<16xi1>
    %sub3A_237 = arith.constant 1 : i32
    %sub3A_238 = vector.broadcast %sub3A_237 : i32 to vector<16xi32>
    %sub3A_239 = arith.subi %div3A_212, %sub3A_238 : vector<16xi32>
    %select_n3A_240 = arith.select %and3A_236, %sub3A_239, %div3A_212 : vector<16xi1>, vector<16xi32>
    %mul3A_241 = arith.constant 1024 : i32
    %mul3A_242 = vector.broadcast %mul3A_241 : i32 to vector<16xi32>
    %mul3A_243 = arith.muli %select_n3A_240, %mul3A_242 : vector<16xi32>
    %broadcast_in_dim3A_244 = arith.constant 48 : i32
    %broadcast_in_dim3A_245 = vector.broadcast %broadcast_in_dim3A_244 : i32 to vector<16xi32>
    %add3A_246 = arith.addi %broadcast_in_dim3A_245, %iota3A : vector<16xi32>
    %jit3A_247 = arith.constant 2 : i32
    %div3A_248 = vector.broadcast %jit3A_247 : i32 to vector<16xi32>
    %div3A_249 = arith.divsi %add3A_246, %div3A_248 : vector<16xi32>
    %sign3A_250 = arith.constant 0 : i32
    %sign3A_251 = vector.broadcast %sign3A_250 : i32 to vector<16xi32>
    %sign3A_252 = arith.cmpi sgt, %add3A_246, %sign3A_251 : vector<16xi32>
    %sign3A_253 = arith.extui %sign3A_252 : vector<16xi1> to vector<16xi32>
    %sign3A_254 = arith.constant 0 : i32
    %sign3A_255 = vector.broadcast %sign3A_254 : i32 to vector<16xi32>
    %sign3A_256 = arith.cmpi slt, %add3A_246, %sign3A_255 : vector<16xi32>
    %sign3A_257 = arith.extui %sign3A_256 : vector<16xi1> to vector<16xi32>
    %sign3A_258 = arith.subi %sign3A_253, %sign3A_257 : vector<16xi32>
    %sign3A_259 = arith.constant 0 : i32
    %sign3A_260 = arith.cmpi sgt, %jit3A_247, %sign3A_259 : i32
    %sign3A_261 = arith.extui %sign3A_260 : i1 to i32
    %sign3A_262 = arith.constant 0 : i32
    %sign3A_263 = arith.cmpi slt, %jit3A_247, %sign3A_262 : i32
    %sign3A_264 = arith.extui %sign3A_263 : i1 to i32
    %sign3A_265 = arith.subi %sign3A_261, %sign3A_264 : i32
    %ne3A_266 = vector.broadcast %sign3A_265 : i32 to vector<16xi32>
    %ne3A_267 = arith.cmpi ne, %sign3A_258, %ne3A_266 : vector<16xi32>
    %rem3A_268 = vector.broadcast %jit3A_247 : i32 to vector<16xi32>
    %rem3A_269 = arith.remsi %add3A_246, %rem3A_268 : vector<16xi32>
    %ne3A_270 = arith.constant 0 : i32
    %ne3A_271 = vector.broadcast %ne3A_270 : i32 to vector<16xi32>
    %ne3A_272 = arith.cmpi ne, %rem3A_269, %ne3A_271 : vector<16xi32>
    %and3A_273 = arith.andi %ne3A_267, %ne3A_272 : vector<16xi1>
    %sub3A_274 = arith.constant 1 : i32
    %sub3A_275 = vector.broadcast %sub3A_274 : i32 to vector<16xi32>
    %sub3A_276 = arith.subi %div3A_249, %sub3A_275 : vector<16xi32>
    %select_n3A_277 = arith.select %and3A_273, %sub3A_276, %div3A_249 : vector<16xi1>, vector<16xi32>
    %mul3A_278 = arith.constant 1024 : i32
    %mul3A_279 = vector.broadcast %mul3A_278 : i32 to vector<16xi32>
    %mul3A_280 = arith.muli %select_n3A_277, %mul3A_279 : vector<16xi32>
    %broadcast_in_dim3A_281 = arith.constant 64 : i32
    %broadcast_in_dim3A_282 = vector.broadcast %broadcast_in_dim3A_281 : i32 to vector<16xi32>
    %add3A_283 = arith.addi %broadcast_in_dim3A_282, %iota3A : vector<16xi32>
    %jit3A_284 = arith.constant 2 : i32
    %div3A_285 = vector.broadcast %jit3A_284 : i32 to vector<16xi32>
    %div3A_286 = arith.divsi %add3A_283, %div3A_285 : vector<16xi32>
    %sign3A_287 = arith.constant 0 : i32
    %sign3A_288 = vector.broadcast %sign3A_287 : i32 to vector<16xi32>
    %sign3A_289 = arith.cmpi sgt, %add3A_283, %sign3A_288 : vector<16xi32>
    %sign3A_290 = arith.extui %sign3A_289 : vector<16xi1> to vector<16xi32>
    %sign3A_291 = arith.constant 0 : i32
    %sign3A_292 = vector.broadcast %sign3A_291 : i32 to vector<16xi32>
    %sign3A_293 = arith.cmpi slt, %add3A_283, %sign3A_292 : vector<16xi32>
    %sign3A_294 = arith.extui %sign3A_293 : vector<16xi1> to vector<16xi32>
    %sign3A_295 = arith.subi %sign3A_290, %sign3A_294 : vector<16xi32>
    %sign3A_296 = arith.constant 0 : i32
    %sign3A_297 = arith.cmpi sgt, %jit3A_284, %sign3A_296 : i32
    %sign3A_298 = arith.extui %sign3A_297 : i1 to i32
    %sign3A_299 = arith.constant 0 : i32
    %sign3A_300 = arith.cmpi slt, %jit3A_284, %sign3A_299 : i32
    %sign3A_301 = arith.extui %sign3A_300 : i1 to i32
    %sign3A_302 = arith.subi %sign3A_298, %sign3A_301 : i32
    %ne3A_303 = vector.broadcast %sign3A_302 : i32 to vector<16xi32>
    %ne3A_304 = arith.cmpi ne, %sign3A_295, %ne3A_303 : vector<16xi32>
    %rem3A_305 = vector.broadcast %jit3A_284 : i32 to vector<16xi32>
    %rem3A_306 = arith.remsi %add3A_283, %rem3A_305 : vector<16xi32>
    %ne3A_307 = arith.constant 0 : i32
    %ne3A_308 = vector.broadcast %ne3A_307 : i32 to vector<16xi32>
    %ne3A_309 = arith.cmpi ne, %rem3A_306, %ne3A_308 : vector<16xi32>
    %and3A_310 = arith.andi %ne3A_304, %ne3A_309 : vector<16xi1>
    %sub3A_311 = arith.constant 1 : i32
    %sub3A_312 = vector.broadcast %sub3A_311 : i32 to vector<16xi32>
    %sub3A_313 = arith.subi %div3A_286, %sub3A_312 : vector<16xi32>
    %select_n3A_314 = arith.select %and3A_310, %sub3A_313, %div3A_286 : vector<16xi1>, vector<16xi32>
    %mul3A_315 = arith.constant 1024 : i32
    %mul3A_316 = vector.broadcast %mul3A_315 : i32 to vector<16xi32>
    %mul3A_317 = arith.muli %select_n3A_314, %mul3A_316 : vector<16xi32>
    %broadcast_in_dim3A_318 = arith.constant 80 : i32
    %broadcast_in_dim3A_319 = vector.broadcast %broadcast_in_dim3A_318 : i32 to vector<16xi32>
    %add3A_320 = arith.addi %broadcast_in_dim3A_319, %iota3A : vector<16xi32>
    %jit3A_321 = arith.constant 2 : i32
    %div3A_322 = vector.broadcast %jit3A_321 : i32 to vector<16xi32>
    %div3A_323 = arith.divsi %add3A_320, %div3A_322 : vector<16xi32>
    %sign3A_324 = arith.constant 0 : i32
    %sign3A_325 = vector.broadcast %sign3A_324 : i32 to vector<16xi32>
    %sign3A_326 = arith.cmpi sgt, %add3A_320, %sign3A_325 : vector<16xi32>
    %sign3A_327 = arith.extui %sign3A_326 : vector<16xi1> to vector<16xi32>
    %sign3A_328 = arith.constant 0 : i32
    %sign3A_329 = vector.broadcast %sign3A_328 : i32 to vector<16xi32>
    %sign3A_330 = arith.cmpi slt, %add3A_320, %sign3A_329 : vector<16xi32>
    %sign3A_331 = arith.extui %sign3A_330 : vector<16xi1> to vector<16xi32>
    %sign3A_332 = arith.subi %sign3A_327, %sign3A_331 : vector<16xi32>
    %sign3A_333 = arith.constant 0 : i32
    %sign3A_334 = arith.cmpi sgt, %jit3A_321, %sign3A_333 : i32
    %sign3A_335 = arith.extui %sign3A_334 : i1 to i32
    %sign3A_336 = arith.constant 0 : i32
    %sign3A_337 = arith.cmpi slt, %jit3A_321, %sign3A_336 : i32
    %sign3A_338 = arith.extui %sign3A_337 : i1 to i32
    %sign3A_339 = arith.subi %sign3A_335, %sign3A_338 : i32
    %ne3A_340 = vector.broadcast %sign3A_339 : i32 to vector<16xi32>
    %ne3A_341 = arith.cmpi ne, %sign3A_332, %ne3A_340 : vector<16xi32>
    %rem3A_342 = vector.broadcast %jit3A_321 : i32 to vector<16xi32>
    %rem3A_343 = arith.remsi %add3A_320, %rem3A_342 : vector<16xi32>
    %ne3A_344 = arith.constant 0 : i32
    %ne3A_345 = vector.broadcast %ne3A_344 : i32 to vector<16xi32>
    %ne3A_346 = arith.cmpi ne, %rem3A_343, %ne3A_345 : vector<16xi32>
    %and3A_347 = arith.andi %ne3A_341, %ne3A_346 : vector<16xi1>
    %sub3A_348 = arith.constant 1 : i32
    %sub3A_349 = vector.broadcast %sub3A_348 : i32 to vector<16xi32>
    %sub3A_350 = arith.subi %div3A_323, %sub3A_349 : vector<16xi32>
    %select_n3A_351 = arith.select %and3A_347, %sub3A_350, %div3A_323 : vector<16xi1>, vector<16xi32>
    %mul3A_352 = arith.constant 1024 : i32
    %mul3A_353 = vector.broadcast %mul3A_352 : i32 to vector<16xi32>
    %mul3A_354 = arith.muli %select_n3A_351, %mul3A_353 : vector<16xi32>
    %broadcast_in_dim3A_355 = arith.constant 96 : i32
    %broadcast_in_dim3A_356 = vector.broadcast %broadcast_in_dim3A_355 : i32 to vector<16xi32>
    %add3A_357 = arith.addi %broadcast_in_dim3A_356, %iota3A : vector<16xi32>
    %jit3A_358 = arith.constant 2 : i32
    %div3A_359 = vector.broadcast %jit3A_358 : i32 to vector<16xi32>
    %div3A_360 = arith.divsi %add3A_357, %div3A_359 : vector<16xi32>
    %sign3A_361 = arith.constant 0 : i32
    %sign3A_362 = vector.broadcast %sign3A_361 : i32 to vector<16xi32>
    %sign3A_363 = arith.cmpi sgt, %add3A_357, %sign3A_362 : vector<16xi32>
    %sign3A_364 = arith.extui %sign3A_363 : vector<16xi1> to vector<16xi32>
    %sign3A_365 = arith.constant 0 : i32
    %sign3A_366 = vector.broadcast %sign3A_365 : i32 to vector<16xi32>
    %sign3A_367 = arith.cmpi slt, %add3A_357, %sign3A_366 : vector<16xi32>
    %sign3A_368 = arith.extui %sign3A_367 : vector<16xi1> to vector<16xi32>
    %sign3A_369 = arith.subi %sign3A_364, %sign3A_368 : vector<16xi32>
    %sign3A_370 = arith.constant 0 : i32
    %sign3A_371 = arith.cmpi sgt, %jit3A_358, %sign3A_370 : i32
    %sign3A_372 = arith.extui %sign3A_371 : i1 to i32
    %sign3A_373 = arith.constant 0 : i32
    %sign3A_374 = arith.cmpi slt, %jit3A_358, %sign3A_373 : i32
    %sign3A_375 = arith.extui %sign3A_374 : i1 to i32
    %sign3A_376 = arith.subi %sign3A_372, %sign3A_375 : i32
    %ne3A_377 = vector.broadcast %sign3A_376 : i32 to vector<16xi32>
    %ne3A_378 = arith.cmpi ne, %sign3A_369, %ne3A_377 : vector<16xi32>
    %rem3A_379 = vector.broadcast %jit3A_358 : i32 to vector<16xi32>
    %rem3A_380 = arith.remsi %add3A_357, %rem3A_379 : vector<16xi32>
    %ne3A_381 = arith.constant 0 : i32
    %ne3A_382 = vector.broadcast %ne3A_381 : i32 to vector<16xi32>
    %ne3A_383 = arith.cmpi ne, %rem3A_380, %ne3A_382 : vector<16xi32>
    %and3A_384 = arith.andi %ne3A_378, %ne3A_383 : vector<16xi1>
    %sub3A_385 = arith.constant 1 : i32
    %sub3A_386 = vector.broadcast %sub3A_385 : i32 to vector<16xi32>
    %sub3A_387 = arith.subi %div3A_360, %sub3A_386 : vector<16xi32>
    %select_n3A_388 = arith.select %and3A_384, %sub3A_387, %div3A_360 : vector<16xi1>, vector<16xi32>
    %mul3A_389 = arith.constant 1024 : i32
    %mul3A_390 = vector.broadcast %mul3A_389 : i32 to vector<16xi32>
    %mul3A_391 = arith.muli %select_n3A_388, %mul3A_390 : vector<16xi32>
    %broadcast_in_dim3A_392 = arith.constant 112 : i32
    %broadcast_in_dim3A_393 = vector.broadcast %broadcast_in_dim3A_392 : i32 to vector<16xi32>
    %add3A_394 = arith.addi %broadcast_in_dim3A_393, %iota3A : vector<16xi32>
    %jit3A_395 = arith.constant 2 : i32
    %div3A_396 = vector.broadcast %jit3A_395 : i32 to vector<16xi32>
    %div3A_397 = arith.divsi %add3A_394, %div3A_396 : vector<16xi32>
    %sign3A_398 = arith.constant 0 : i32
    %sign3A_399 = vector.broadcast %sign3A_398 : i32 to vector<16xi32>
    %sign3A_400 = arith.cmpi sgt, %add3A_394, %sign3A_399 : vector<16xi32>
    %sign3A_401 = arith.extui %sign3A_400 : vector<16xi1> to vector<16xi32>
    %sign3A_402 = arith.constant 0 : i32
    %sign3A_403 = vector.broadcast %sign3A_402 : i32 to vector<16xi32>
    %sign3A_404 = arith.cmpi slt, %add3A_394, %sign3A_403 : vector<16xi32>
    %sign3A_405 = arith.extui %sign3A_404 : vector<16xi1> to vector<16xi32>
    %sign3A_406 = arith.subi %sign3A_401, %sign3A_405 : vector<16xi32>
    %sign3A_407 = arith.constant 0 : i32
    %sign3A_408 = arith.cmpi sgt, %jit3A_395, %sign3A_407 : i32
    %sign3A_409 = arith.extui %sign3A_408 : i1 to i32
    %sign3A_410 = arith.constant 0 : i32
    %sign3A_411 = arith.cmpi slt, %jit3A_395, %sign3A_410 : i32
    %sign3A_412 = arith.extui %sign3A_411 : i1 to i32
    %sign3A_413 = arith.subi %sign3A_409, %sign3A_412 : i32
    %ne3A_414 = vector.broadcast %sign3A_413 : i32 to vector<16xi32>
    %ne3A_415 = arith.cmpi ne, %sign3A_406, %ne3A_414 : vector<16xi32>
    %rem3A_416 = vector.broadcast %jit3A_395 : i32 to vector<16xi32>
    %rem3A_417 = arith.remsi %add3A_394, %rem3A_416 : vector<16xi32>
    %ne3A_418 = arith.constant 0 : i32
    %ne3A_419 = vector.broadcast %ne3A_418 : i32 to vector<16xi32>
    %ne3A_420 = arith.cmpi ne, %rem3A_417, %ne3A_419 : vector<16xi32>
    %and3A_421 = arith.andi %ne3A_415, %ne3A_420 : vector<16xi1>
    %sub3A_422 = arith.constant 1 : i32
    %sub3A_423 = vector.broadcast %sub3A_422 : i32 to vector<16xi32>
    %sub3A_424 = arith.subi %div3A_397, %sub3A_423 : vector<16xi32>
    %select_n3A_425 = arith.select %and3A_421, %sub3A_424, %div3A_397 : vector<16xi1>, vector<16xi32>
    %mul3A_426 = arith.constant 1024 : i32
    %mul3A_427 = vector.broadcast %mul3A_426 : i32 to vector<16xi32>
    %mul3A_428 = arith.muli %select_n3A_425, %mul3A_427 : vector<16xi32>
    %while3A = arith.constant 0 : i32
    %while3A_429 = arith.subi %select_n3A_37, %while3A : i32
    %while3A_430 = arith.addi %while3A, %while3A_429 : i32
    %while3A_431 = arith.constant 1 : i32
    %while3A_432 = arith.divsi %while3A_429, %while3A_431 : i32
    %while3A_433 = arith.muli %while3A_432, %while3A_431 : i32
    %while3A_434 = arith.addi %while3A, %while3A_433 : i32
    %while3A_435 = arith.constant 1 : i32
    scf.for %while3A_442 = %while3A to %while3A_434 step %while3A_435  : i32 {
      %add3A_443 = arith.constant 1 : i32
      %add3A_444 = arith.addi %while3A_442, %add3A_443 : i32
      %lt3A_445 = arith.cmpi slt, %add3A_444, %select_n3A_37 : i32
      %convert_element_type3A = arith.extui %lt3A_445 : i1 to i32
      %cond3A = arith.constant 0 : i32
      %cond3A_446 = arith.cmpi ne, %convert_element_type3A, %cond3A : i32
      scf.if %cond3A_446 {
        %add3A_484 = arith.constant 1 : i32
        %add3A_485 = arith.addi %while3A_442, %add3A_484 : i32
        %add3A_486 = arith.addi %select_n3A_46, %add3A_485 : i32
        %jit3A_487 = arith.constant 5 : i32
        %div3A_488 = arith.divsi %add3A_486, %jit3A_487 : i32
        %sign3A_489 = arith.constant 0 : i32
        %sign3A_490 = arith.cmpi sgt, %add3A_486, %sign3A_489 : i32
        %sign3A_491 = arith.extui %sign3A_490 : i1 to i32
        %sign3A_492 = arith.constant 0 : i32
        %sign3A_493 = arith.cmpi slt, %add3A_486, %sign3A_492 : i32
        %sign3A_494 = arith.extui %sign3A_493 : i1 to i32
        %sign3A_495 = arith.subi %sign3A_491, %sign3A_494 : i32
        %sign3A_496 = arith.constant 0 : i32
        %sign3A_497 = arith.cmpi sgt, %jit3A_487, %sign3A_496 : i32
        %sign3A_498 = arith.extui %sign3A_497 : i1 to i32
        %sign3A_499 = arith.constant 0 : i32
        %sign3A_500 = arith.cmpi slt, %jit3A_487, %sign3A_499 : i32
        %sign3A_501 = arith.extui %sign3A_500 : i1 to i32
        %sign3A_502 = arith.subi %sign3A_498, %sign3A_501 : i32
        %ne3A_503 = arith.cmpi ne, %sign3A_495, %sign3A_502 : i32
        %rem3A_504 = arith.remsi %add3A_486, %jit3A_487 : i32
        %ne3A_505 = arith.constant 0 : i32
        %ne3A_506 = arith.cmpi ne, %rem3A_504, %ne3A_505 : i32
        %and3A_507 = arith.andi %ne3A_503, %ne3A_506 : i1
        %sub3A_508 = arith.constant 1 : i32
        %sub3A_509 = arith.subi %div3A_488, %sub3A_508 : i32
        %select_n3A_510 = arith.select %and3A_507, %sub3A_509, %div3A_488 : i32
        %jit3A_511 = arith.constant 5 : i32
        %eq3A_512 = arith.constant 0 : i32
        %eq3A_513 = arith.cmpi eq, %jit3A_511, %eq3A_512 : i32
        %jit3A_514 = arith.constant 1 : i32
        %select_n3A_515 = arith.select %eq3A_513, %jit3A_514, %jit3A_511 : i32
        %rem3A_516 = arith.remsi %add3A_486, %select_n3A_515 : i32
        %ne3A_517 = arith.constant 0 : i32
        %ne3A_518 = arith.cmpi ne, %rem3A_516, %ne3A_517 : i32
        %lt3A_519 = arith.constant 0 : i32
        %lt3A_520 = arith.cmpi slt, %rem3A_516, %lt3A_519 : i32
        %lt3A_521 = arith.constant 0 : i32
        %lt3A_522 = arith.cmpi slt, %select_n3A_515, %lt3A_521 : i32
        %ne3A_523 = arith.xori %lt3A_520, %lt3A_522 : i1
        %and3A_524 = arith.andi %ne3A_523, %ne3A_518 : i1
        %add3A_525 = arith.addi %rem3A_516, %select_n3A_515 : i32
        %select_n3A_526 = arith.select %and3A_524, %add3A_525, %rem3A_516 : i32
        %mul3A_527 = arith.constant 200 : i32
        %mul3A_528 = arith.muli %select_n3A_526, %mul3A_527 : i32
        %jit3A_529 = arith.constant 2 : i32
        %eq3A_530 = arith.constant 0 : i32
        %eq3A_531 = arith.cmpi eq, %jit3A_529, %eq3A_530 : i32
        %jit3A_532 = arith.constant 1 : i32
        %select_n3A_533 = arith.select %eq3A_531, %jit3A_532, %jit3A_529 : i32
        %rem3A_534 = arith.remsi %add3A_485, %select_n3A_533 : i32
        %ne3A_535 = arith.constant 0 : i32
        %ne3A_536 = arith.cmpi ne, %rem3A_534, %ne3A_535 : i32
        %lt3A_537 = arith.constant 0 : i32
        %lt3A_538 = arith.cmpi slt, %rem3A_534, %lt3A_537 : i32
        %lt3A_539 = arith.constant 0 : i32
        %lt3A_540 = arith.cmpi slt, %select_n3A_533, %lt3A_539 : i32
        %ne3A_541 = arith.xori %lt3A_538, %lt3A_540 : i1
        %and3A_542 = arith.andi %ne3A_541, %ne3A_536 : i1
        %add3A_543 = arith.addi %rem3A_534, %select_n3A_533 : i32
        %select_n3A_544 = arith.select %and3A_542, %add3A_543, %rem3A_534 : i32
        %dma_start3A_545 = arith.constant 0 : i32
        %dma_start3A_546 = arith.constant 0 : i32
        %dma_start3A_547 = tpu.memref_slice %arg4[%select_n3A_544, %dma_start3A_545, %dma_start3A_546] : memref<2x200x128xi32, #tpu.memory_space<vmem>> -> memref<1x200x128xi32, #tpu.memory_space<vmem>>
        %dma_start3A_548 = tpu.memref_squeeze %dma_start3A_547 : memref<1x200x128xi32, #tpu.memory_space<vmem>> -> memref<200x128xi32, #tpu.memory_space<vmem>>
        %dma_start3A_549 = tpu.memref_slice %arg2[%select_n3A_510, %mul3A_528, %mul3A_32] : memref<10x1000x1024xi32, #tpu.memory_space<hbm>> -> memref<1x200x128xi32, #tpu.memory_space<hbm>>
        %dma_start3A_550 = tpu.memref_squeeze %dma_start3A_549 : memref<1x200x128xi32, #tpu.memory_space<hbm>> -> memref<200x128xi32, #tpu.memory_space<hbm>>
        %dma_start3A_551 = tpu.memref_slice %arg6[%select_n3A_544] : memref<2x!tpu.dma_semaphore, #tpu.memory_space<semaphore_mem>> -> memref<1x!tpu.dma_semaphore, #tpu.memory_space<semaphore_mem>>
        %dma_start3A_552 = tpu.memref_squeeze %dma_start3A_551 : memref<1x!tpu.dma_semaphore, #tpu.memory_space<semaphore_mem>> -> memref<!tpu.dma_semaphore, #tpu.memory_space<semaphore_mem>>
        %dma_start3A_553 = arith.constant 0 : i32
        %dma_start3A_554 = arith.constant 0 : i32
        %dma_start3A_555 = tpu.memref_slice %arg4[%select_n3A_544, %dma_start3A_553, %dma_start3A_554] : memref<2x200x128xi32, #tpu.memory_space<vmem>> -> memref<1x200x128xi32, #tpu.memory_space<vmem>>
        %dma_start3A_556 = tpu.memref_squeeze %dma_start3A_555 : memref<1x200x128xi32, #tpu.memory_space<vmem>> -> memref<200x128xi32, #tpu.memory_space<vmem>>
        %dma_start3A_557 = tpu.memref_slice %arg2[%select_n3A_510, %mul3A_528, %mul3A_32] : memref<10x1000x1024xi32, #tpu.memory_space<hbm>> -> memref<1x200x128xi32, #tpu.memory_space<hbm>>
        %dma_start3A_558 = tpu.memref_squeeze %dma_start3A_557 : memref<1x200x128xi32, #tpu.memory_space<hbm>> -> memref<200x128xi32, #tpu.memory_space<hbm>>
        tpu.enqueue_dma source(%dma_start3A_558 : memref<200x128xi32, #tpu.memory_space<hbm>>) target(%dma_start3A_556 : memref<200x128xi32, #tpu.memory_space<vmem>>) target_semaphore(%dma_start3A_552 : memref<!tpu.dma_semaphore, #tpu.memory_space<semaphore_mem>>)
      } else {
      }
      %jit3A_447 = arith.constant 2 : i32
      %eq3A_448 = arith.constant 0 : i32
      %eq3A_449 = arith.cmpi eq, %jit3A_447, %eq3A_448 : i32
      %jit3A_450 = arith.constant 1 : i32
      %select_n3A_451 = arith.select %eq3A_449, %jit3A_450, %jit3A_447 : i32
      %rem3A_452 = arith.remsi %while3A_442, %select_n3A_451 : i32
      %ne3A_453 = arith.constant 0 : i32
      %ne3A_454 = arith.cmpi ne, %rem3A_452, %ne3A_453 : i32
      %lt3A_455 = arith.constant 0 : i32
      %lt3A_456 = arith.cmpi slt, %rem3A_452, %lt3A_455 : i32
      %lt3A_457 = arith.constant 0 : i32
      %lt3A_458 = arith.cmpi slt, %select_n3A_451, %lt3A_457 : i32
      %ne3A_459 = arith.xori %lt3A_456, %lt3A_458 : i1
      %and3A_460 = arith.andi %ne3A_459, %ne3A_454 : i1
      %add3A_461 = arith.addi %rem3A_452, %select_n3A_451 : i32
      %select_n3A_462 = arith.select %and3A_460, %add3A_461, %rem3A_452 : i32
      %dma_wait3A = arith.constant 0 : i32
      %dma_wait3A_463 = arith.constant 0 : i32
      %dma_wait3A_464 = arith.constant 0 : i32
      %dma_wait3A_465 = tpu.memref_slice %arg4[%select_n3A_462, %dma_wait3A_463, %dma_wait3A_464] : memref<2x200x128xi32, #tpu.memory_space<vmem>> -> memref<1x200x128xi32, #tpu.memory_space<vmem>>
      %dma_wait3A_466 = tpu.memref_squeeze %dma_wait3A_465 : memref<1x200x128xi32, #tpu.memory_space<vmem>> -> memref<200x128xi32, #tpu.memory_space<vmem>>
      %dma_wait3A_467 = arith.constant 0 : i32
      %dma_wait3A_468 = arith.constant 0 : i32
      %dma_wait3A_469 = tpu.memref_slice %arg2[%dma_wait3A, %dma_wait3A_467, %dma_wait3A_468] : memref<10x1000x1024xi32, #tpu.memory_space<hbm>> -> memref<1x200x128xi32, #tpu.memory_space<hbm>>
      %dma_wait3A_470 = tpu.memref_squeeze %dma_wait3A_469 : memref<1x200x128xi32, #tpu.memory_space<hbm>> -> memref<200x128xi32, #tpu.memory_space<hbm>>
      %dma_wait3A_471 = tpu.memref_slice %arg6[%select_n3A_462] : memref<2x!tpu.dma_semaphore, #tpu.memory_space<semaphore_mem>> -> memref<1x!tpu.dma_semaphore, #tpu.memory_space<semaphore_mem>>
      %dma_wait3A_472 = tpu.memref_squeeze %dma_wait3A_471 : memref<1x!tpu.dma_semaphore, #tpu.memory_space<semaphore_mem>> -> memref<!tpu.dma_semaphore, #tpu.memory_space<semaphore_mem>>
      %dma_wait3A_473 = arith.constant 0 : i32
      %dma_wait3A_474 = arith.constant 0 : i32
      %dma_wait3A_475 = tpu.memref_slice %arg4[%select_n3A_462, %dma_wait3A_473, %dma_wait3A_474] : memref<2x200x128xi32, #tpu.memory_space<vmem>> -> memref<1x200x128xi32, #tpu.memory_space<vmem>>
      %dma_wait3A_476 = tpu.memref_squeeze %dma_wait3A_475 : memref<1x200x128xi32, #tpu.memory_space<vmem>> -> memref<200x128xi32, #tpu.memory_space<vmem>>
      %dma_wait3A_477 = arith.constant 0 : i32
      %dma_wait3A_478 = arith.constant 0 : i32
      %dma_wait3A_479 = tpu.memref_slice %arg2[%dma_wait3A, %dma_wait3A_477, %dma_wait3A_478] : memref<10x1000x1024xi32, #tpu.memory_space<hbm>> -> memref<1x200x128xi32, #tpu.memory_space<hbm>>
      %dma_wait3A_480 = tpu.memref_squeeze %dma_wait3A_479 : memref<1x200x128xi32, #tpu.memory_space<hbm>> -> memref<200x128xi32, #tpu.memory_space<hbm>>
      tpu.wait_dma2 semaphore(%dma_wait3A_472 : memref<!tpu.dma_semaphore, #tpu.memory_space<semaphore_mem>>) src(%dma_wait3A_480 : memref<200x128xi32, #tpu.memory_space<hbm>>) dst(%dma_wait3A_476 : memref<200x128xi32, #tpu.memory_space<vmem>>)
      %parallel_loop3A_481 = arith.constant 0 : i32
      %parallel_loop3A_482 = arith.constant 200 : i32
      %parallel_loop3A_483 = arith.constant 1 : i32
      scf.for %parallel_loop3A_484 = %parallel_loop3A_481 to %parallel_loop3A_482 step %parallel_loop3A_483  : i32 {
        %parallel_loop3A_485 = arith.index_cast %select_n3A_462 : i32 to index
        %parallel_loop3A_486 = arith.index_cast %parallel_loop3A_484 : i32 to index
        %parallel_loop3A_487 = arith.constant 0 : index
        %parallel_loop3A_488 = tpu.vector_load %arg4[%parallel_loop3A_485, %parallel_loop3A_486, %parallel_loop3A_487] {strides = array<i32>} : memref<2x200x128xi32, #tpu.memory_space<vmem>>, vector<16xi32>,
        %parallel_loop3A_489 = arith.addi %mul3A_169, %parallel_loop3A_488 : vector<16xi32>
        tpu.vector_store_idx %arg5[%parallel_loop3A_489], %add3A_56 {add = true} : memref<65536xi32, #tpu.memory_space<vmem>>[vector<16xi32>], vector<16xi32>,
        %parallel_loop3A_490 = arith.index_cast %select_n3A_462 : i32 to index
        %parallel_loop3A_491 = arith.index_cast %parallel_loop3A_484 : i32 to index
        %parallel_loop3A_492 = arith.constant 16 : index
        %parallel_loop3A_493 = tpu.vector_load %arg4[%parallel_loop3A_490, %parallel_loop3A_491, %parallel_loop3A_492] {strides = array<i32>} : memref<2x200x128xi32, #tpu.memory_space<vmem>>, vector<16xi32>,
        %parallel_loop3A_494 = arith.addi %mul3A_206, %parallel_loop3A_493 : vector<16xi32>
        tpu.vector_store_idx %arg5[%parallel_loop3A_494], %add3A_56 {add = true} : memref<65536xi32, #tpu.memory_space<vmem>>[vector<16xi32>], vector<16xi32>,
        %parallel_loop3A_495 = arith.index_cast %select_n3A_462 : i32 to index
        %parallel_loop3A_496 = arith.index_cast %parallel_loop3A_484 : i32 to index
        %parallel_loop3A_497 = arith.constant 32 : index
        %parallel_loop3A_498 = tpu.vector_load %arg4[%parallel_loop3A_495, %parallel_loop3A_496, %parallel_loop3A_497] {strides = array<i32>} : memref<2x200x128xi32, #tpu.memory_space<vmem>>, vector<16xi32>,
        %parallel_loop3A_499 = arith.addi %mul3A_243, %parallel_loop3A_498 : vector<16xi32>
        tpu.vector_store_idx %arg5[%parallel_loop3A_499], %add3A_56 {add = true} : memref<65536xi32, #tpu.memory_space<vmem>>[vector<16xi32>], vector<16xi32>,
        %parallel_loop3A_500 = arith.index_cast %select_n3A_462 : i32 to index
        %parallel_loop3A_501 = arith.index_cast %parallel_loop3A_484 : i32 to index
        %parallel_loop3A_502 = arith.constant 48 : index
        %parallel_loop3A_503 = tpu.vector_load %arg4[%parallel_loop3A_500, %parallel_loop3A_501, %parallel_loop3A_502] {strides = array<i32>} : memref<2x200x128xi32, #tpu.memory_space<vmem>>, vector<16xi32>,
        %parallel_loop3A_504 = arith.addi %mul3A_280, %parallel_loop3A_503 : vector<16xi32>
        tpu.vector_store_idx %arg5[%parallel_loop3A_504], %add3A_56 {add = true} : memref<65536xi32, #tpu.memory_space<vmem>>[vector<16xi32>], vector<16xi32>,
        %parallel_loop3A_505 = arith.index_cast %select_n3A_462 : i32 to index
        %parallel_loop3A_506 = arith.index_cast %parallel_loop3A_484 : i32 to index
        %parallel_loop3A_507 = arith.constant 64 : index
        %parallel_loop3A_508 = tpu.vector_load %arg4[%parallel_loop3A_505, %parallel_loop3A_506, %parallel_loop3A_507] {strides = array<i32>} : memref<2x200x128xi32, #tpu.memory_space<vmem>>, vector<16xi32>,
        %parallel_loop3A_509 = arith.addi %mul3A_317, %parallel_loop3A_508 : vector<16xi32>
        tpu.vector_store_idx %arg5[%parallel_loop3A_509], %add3A_56 {add = true} : memref<65536xi32, #tpu.memory_space<vmem>>[vector<16xi32>], vector<16xi32>,
        %parallel_loop3A_510 = arith.index_cast %select_n3A_462 : i32 to index
        %parallel_loop3A_511 = arith.index_cast %parallel_loop3A_484 : i32 to index
        %parallel_loop3A_512 = arith.constant 80 : index
        %parallel_loop3A_513 = tpu.vector_load %arg4[%parallel_loop3A_510, %parallel_loop3A_511, %parallel_loop3A_512] {strides = array<i32>} : memref<2x200x128xi32, #tpu.memory_space<vmem>>, vector<16xi32>,
        %parallel_loop3A_514 = arith.addi %mul3A_354, %parallel_loop3A_513 : vector<16xi32>
        tpu.vector_store_idx %arg5[%parallel_loop3A_514], %add3A_56 {add = true} : memref<65536xi32, #tpu.memory_space<vmem>>[vector<16xi32>], vector<16xi32>,
        %parallel_loop3A_515 = arith.index_cast %select_n3A_462 : i32 to index
        %parallel_loop3A_516 = arith.index_cast %parallel_loop3A_484 : i32 to index
        %parallel_loop3A_517 = arith.constant 96 : index
        %parallel_loop3A_518 = tpu.vector_load %arg4[%parallel_loop3A_515, %parallel_loop3A_516, %parallel_loop3A_517] {strides = array<i32>} : memref<2x200x128xi32, #tpu.memory_space<vmem>>, vector<16xi32>,
        %parallel_loop3A_519 = arith.addi %mul3A_391, %parallel_loop3A_518 : vector<16xi32>
        tpu.vector_store_idx %arg5[%parallel_loop3A_519], %add3A_56 {add = true} : memref<65536xi32, #tpu.memory_space<vmem>>[vector<16xi32>], vector<16xi32>,
        %parallel_loop3A_520 = arith.index_cast %select_n3A_462 : i32 to index
        %parallel_loop3A_521 = arith.index_cast %parallel_loop3A_484 : i32 to index
        %parallel_loop3A_522 = arith.constant 112 : index
        %parallel_loop3A_523 = tpu.vector_load %arg4[%parallel_loop3A_520, %parallel_loop3A_521, %parallel_loop3A_522] {strides = array<i32>} : memref<2x200x128xi32, #tpu.memory_space<vmem>>, vector<16xi32>,
        %parallel_loop3A_524 = arith.addi %mul3A_428, %parallel_loop3A_523 : vector<16xi32>
        tpu.vector_store_idx %arg5[%parallel_loop3A_524], %add3A_56 {add = true} : memref<65536xi32, #tpu.memory_space<vmem>>[vector<16xi32>], vector<16xi32>,
      } {sc.loop_unroll_factor = 4 : i64, sc.parallel_access}
    }
    %while3A_436 = arith.constant 1 : i32
    scf.for %while3A_442 = %while3A_434 to %while3A_430 step %while3A_436  : i32 {
      %add3A_443 = arith.constant 1 : i32
      %add3A_444 = arith.addi %while3A_442, %add3A_443 : i32
      %lt3A_445 = arith.cmpi slt, %add3A_444, %select_n3A_37 : i32
      %convert_element_type3A = arith.extui %lt3A_445 : i1 to i32
      %cond3A = arith.constant 0 : i32
      %cond3A_446 = arith.cmpi ne, %convert_element_type3A, %cond3A : i32
      scf.if %cond3A_446 {
        %add3A_484 = arith.constant 1 : i32
        %add3A_485 = arith.addi %while3A_442, %add3A_484 : i32
        %add3A_486 = arith.addi %select_n3A_46, %add3A_485 : i32
        %jit3A_487 = arith.constant 5 : i32
        %div3A_488 = arith.divsi %add3A_486, %jit3A_487 : i32
        %sign3A_489 = arith.constant 0 : i32
        %sign3A_490 = arith.cmpi sgt, %add3A_486, %sign3A_489 : i32
        %sign3A_491 = arith.extui %sign3A_490 : i1 to i32
        %sign3A_492 = arith.constant 0 : i32
        %sign3A_493 = arith.cmpi slt, %add3A_486, %sign3A_492 : i32
        %sign3A_494 = arith.extui %sign3A_493 : i1 to i32
        %sign3A_495 = arith.subi %sign3A_491, %sign3A_494 : i32
        %sign3A_496 = arith.constant 0 : i32
        %sign3A_497 = arith.cmpi sgt, %jit3A_487, %sign3A_496 : i32
        %sign3A_498 = arith.extui %sign3A_497 : i1 to i32
        %sign3A_499 = arith.constant 0 : i32
        %sign3A_500 = arith.cmpi slt, %jit3A_487, %sign3A_499 : i32
        %sign3A_501 = arith.extui %sign3A_500 : i1 to i32
        %sign3A_502 = arith.subi %sign3A_498, %sign3A_501 : i32
        %ne3A_503 = arith.cmpi ne, %sign3A_495, %sign3A_502 : i32
        %rem3A_504 = arith.remsi %add3A_486, %jit3A_487 : i32
        %ne3A_505 = arith.constant 0 : i32
        %ne3A_506 = arith.cmpi ne, %rem3A_504, %ne3A_505 : i32
        %and3A_507 = arith.andi %ne3A_503, %ne3A_506 : i1
        %sub3A_508 = arith.constant 1 : i32
        %sub3A_509 = arith.subi %div3A_488, %sub3A_508 : i32
        %select_n3A_510 = arith.select %and3A_507, %sub3A_509, %div3A_488 : i32
        %jit3A_511 = arith.constant 5 : i32
        %eq3A_512 = arith.constant 0 : i32
        %eq3A_513 = arith.cmpi eq, %jit3A_511, %eq3A_512 : i32
        %jit3A_514 = arith.constant 1 : i32
        %select_n3A_515 = arith.select %eq3A_513, %jit3A_514, %jit3A_511 : i32
        %rem3A_516 = arith.remsi %add3A_486, %select_n3A_515 : i32
        %ne3A_517 = arith.constant 0 : i32
        %ne3A_518 = arith.cmpi ne, %rem3A_516, %ne3A_517 : i32
        %lt3A_519 = arith.constant 0 : i32
        %lt3A_520 = arith.cmpi slt, %rem3A_516, %lt3A_519 : i32
        %lt3A_521 = arith.constant 0 : i32
        %lt3A_522 = arith.cmpi slt, %select_n3A_515, %lt3A_521 : i32
        %ne3A_523 = arith.xori %lt3A_520, %lt3A_522 : i1
        %and3A_524 = arith.andi %ne3A_523, %ne3A_518 : i1
        %add3A_525 = arith.addi %rem3A_516, %select_n3A_515 : i32
        %select_n3A_526 = arith.select %and3A_524, %add3A_525, %rem3A_516 : i32
        %mul3A_527 = arith.constant 200 : i32
        %mul3A_528 = arith.muli %select_n3A_526, %mul3A_527 : i32
        %jit3A_529 = arith.constant 2 : i32
        %eq3A_530 = arith.constant 0 : i32
        %eq3A_531 = arith.cmpi eq, %jit3A_529, %eq3A_530 : i32
        %jit3A_532 = arith.constant 1 : i32
        %select_n3A_533 = arith.select %eq3A_531, %jit3A_532, %jit3A_529 : i32
        %rem3A_534 = arith.remsi %add3A_485, %select_n3A_533 : i32
        %ne3A_535 = arith.constant 0 : i32
        %ne3A_536 = arith.cmpi ne, %rem3A_534, %ne3A_535 : i32
        %lt3A_537 = arith.constant 0 : i32
        %lt3A_538 = arith.cmpi slt, %rem3A_534, %lt3A_537 : i32
        %lt3A_539 = arith.constant 0 : i32
        %lt3A_540 = arith.cmpi slt, %select_n3A_533, %lt3A_539 : i32
        %ne3A_541 = arith.xori %lt3A_538, %lt3A_540 : i1
        %and3A_542 = arith.andi %ne3A_541, %ne3A_536 : i1
        %add3A_543 = arith.addi %rem3A_534, %select_n3A_533 : i32
        %select_n3A_544 = arith.select %and3A_542, %add3A_543, %rem3A_534 : i32
        %dma_start3A_545 = arith.constant 0 : i32
        %dma_start3A_546 = arith.constant 0 : i32
        %dma_start3A_547 = tpu.memref_slice %arg4[%select_n3A_544, %dma_start3A_545, %dma_start3A_546] : memref<2x200x128xi32, #tpu.memory_space<vmem>> -> memref<1x200x128xi32, #tpu.memory_space<vmem>>
        %dma_start3A_548 = tpu.memref_squeeze %dma_start3A_547 : memref<1x200x128xi32, #tpu.memory_space<vmem>> -> memref<200x128xi32, #tpu.memory_space<vmem>>
        %dma_start3A_549 = tpu.memref_slice %arg2[%select_n3A_510, %mul3A_528, %mul3A_32] : memref<10x1000x1024xi32, #tpu.memory_space<hbm>> -> memref<1x200x128xi32, #tpu.memory_space<hbm>>
        %dma_start3A_550 = tpu.memref_squeeze %dma_start3A_549 : memref<1x200x128xi32, #tpu.memory_space<hbm>> -> memref<200x128xi32, #tpu.memory_space<hbm>>
        %dma_start3A_551 = tpu.memref_slice %arg6[%select_n3A_544] : memref<2x!tpu.dma_semaphore, #tpu.memory_space<semaphore_mem>> -> memref<1x!tpu.dma_semaphore, #tpu.memory_space<semaphore_mem>>
        %dma_start3A_552 = tpu.memref_squeeze %dma_start3A_551 : memref<1x!tpu.dma_semaphore, #tpu.memory_space<semaphore_mem>> -> memref<!tpu.dma_semaphore, #tpu.memory_space<semaphore_mem>>
        %dma_start3A_553 = arith.constant 0 : i32
        %dma_start3A_554 = arith.constant 0 : i32
        %dma_start3A_555 = tpu.memref_slice %arg4[%select_n3A_544, %dma_start3A_553, %dma_start3A_554] : memref<2x200x128xi32, #tpu.memory_space<vmem>> -> memref<1x200x128xi32, #tpu.memory_space<vmem>>
        %dma_start3A_556 = tpu.memref_squeeze %dma_start3A_555 : memref<1x200x128xi32, #tpu.memory_space<vmem>> -> memref<200x128xi32, #tpu.memory_space<vmem>>
        %dma_start3A_557 = tpu.memref_slice %arg2[%select_n3A_510, %mul3A_528, %mul3A_32] : memref<10x1000x1024xi32, #tpu.memory_space<hbm>> -> memref<1x200x128xi32, #tpu.memory_space<hbm>>
        %dma_start3A_558 = tpu.memref_squeeze %dma_start3A_557 : memref<1x200x128xi32, #tpu.memory_space<hbm>> -> memref<200x128xi32, #tpu.memory_space<hbm>>
        tpu.enqueue_dma source(%dma_start3A_558 : memref<200x128xi32, #tpu.memory_space<hbm>>) target(%dma_start3A_556 : memref<200x128xi32, #tpu.memory_space<vmem>>) target_semaphore(%dma_start3A_552 : memref<!tpu.dma_semaphore, #tpu.memory_space<semaphore_mem>>)
      } else {
      }
      %jit3A_447 = arith.constant 2 : i32
      %eq3A_448 = arith.constant 0 : i32
      %eq3A_449 = arith.cmpi eq, %jit3A_447, %eq3A_448 : i32
      %jit3A_450 = arith.constant 1 : i32
      %select_n3A_451 = arith.select %eq3A_449, %jit3A_450, %jit3A_447 : i32
      %rem3A_452 = arith.remsi %while3A_442, %select_n3A_451 : i32
      %ne3A_453 = arith.constant 0 : i32
      %ne3A_454 = arith.cmpi ne, %rem3A_452, %ne3A_453 : i32
      %lt3A_455 = arith.constant 0 : i32
      %lt3A_456 = arith.cmpi slt, %rem3A_452, %lt3A_455 : i32
      %lt3A_457 = arith.constant 0 : i32
      %lt3A_458 = arith.cmpi slt, %select_n3A_451, %lt3A_457 : i32
      %ne3A_459 = arith.xori %lt3A_456, %lt3A_458 : i1
      %and3A_460 = arith.andi %ne3A_459, %ne3A_454 : i1
      %add3A_461 = arith.addi %rem3A_452, %select_n3A_451 : i32
      %select_n3A_462 = arith.select %and3A_460, %add3A_461, %rem3A_452 : i32
      %dma_wait3A = arith.constant 0 : i32
      %dma_wait3A_463 = arith.constant 0 : i32
      %dma_wait3A_464 = arith.constant 0 : i32
      %dma_wait3A_465 = tpu.memref_slice %arg4[%select_n3A_462, %dma_wait3A_463, %dma_wait3A_464] : memref<2x200x128xi32, #tpu.memory_space<vmem>> -> memref<1x200x128xi32, #tpu.memory_space<vmem>>
      %dma_wait3A_466 = tpu.memref_squeeze %dma_wait3A_465 : memref<1x200x128xi32, #tpu.memory_space<vmem>> -> memref<200x128xi32, #tpu.memory_space<vmem>>
      %dma_wait3A_467 = arith.constant 0 : i32
      %dma_wait3A_468 = arith.constant 0 : i32
      %dma_wait3A_469 = tpu.memref_slice %arg2[%dma_wait3A, %dma_wait3A_467, %dma_wait3A_468] : memref<10x1000x1024xi32, #tpu.memory_space<hbm>> -> memref<1x200x128xi32, #tpu.memory_space<hbm>>
      %dma_wait3A_470 = tpu.memref_squeeze %dma_wait3A_469 : memref<1x200x128xi32, #tpu.memory_space<hbm>> -> memref<200x128xi32, #tpu.memory_space<hbm>>
      %dma_wait3A_471 = tpu.memref_slice %arg6[%select_n3A_462] : memref<2x!tpu.dma_semaphore, #tpu.memory_space<semaphore_mem>> -> memref<1x!tpu.dma_semaphore, #tpu.memory_space<semaphore_mem>>
      %dma_wait3A_472 = tpu.memref_squeeze %dma_wait3A_471 : memref<1x!tpu.dma_semaphore, #tpu.memory_space<semaphore_mem>> -> memref<!tpu.dma_semaphore, #tpu.memory_space<semaphore_mem>>
      %dma_wait3A_473 = arith.constant 0 : i32
      %dma_wait3A_474 = arith.constant 0 : i32
      %dma_wait3A_475 = tpu.memref_slice %arg4[%select_n3A_462, %dma_wait3A_473, %dma_wait3A_474] : memref<2x200x128xi32, #tpu.memory_space<vmem>> -> memref<1x200x128xi32, #tpu.memory_space<vmem>>
      %dma_wait3A_476 = tpu.memref_squeeze %dma_wait3A_475 : memref<1x200x128xi32, #tpu.memory_space<vmem>> -> memref<200x128xi32, #tpu.memory_space<vmem>>
      %dma_wait3A_477 = arith.constant 0 : i32
      %dma_wait3A_478 = arith.constant 0 : i32
      %dma_wait3A_479 = tpu.memref_slice %arg2[%dma_wait3A, %dma_wait3A_477, %dma_wait3A_478] : memref<10x1000x1024xi32, #tpu.memory_space<hbm>> -> memref<1x200x128xi32, #tpu.memory_space<hbm>>
      %dma_wait3A_480 = tpu.memref_squeeze %dma_wait3A_479 : memref<1x200x128xi32, #tpu.memory_space<hbm>> -> memref<200x128xi32, #tpu.memory_space<hbm>>
      tpu.wait_dma2 semaphore(%dma_wait3A_472 : memref<!tpu.dma_semaphore, #tpu.memory_space<semaphore_mem>>) src(%dma_wait3A_480 : memref<200x128xi32, #tpu.memory_space<hbm>>) dst(%dma_wait3A_476 : memref<200x128xi32, #tpu.memory_space<vmem>>)
      %parallel_loop3A_481 = arith.constant 0 : i32
      %parallel_loop3A_482 = arith.constant 200 : i32
      %parallel_loop3A_483 = arith.constant 1 : i32
      scf.for %parallel_loop3A_484 = %parallel_loop3A_481 to %parallel_loop3A_482 step %parallel_loop3A_483  : i32 {
        %parallel_loop3A_485 = arith.index_cast %select_n3A_462 : i32 to index
        %parallel_loop3A_486 = arith.index_cast %parallel_loop3A_484 : i32 to index
        %parallel_loop3A_487 = arith.constant 0 : index
        %parallel_loop3A_488 = tpu.vector_load %arg4[%parallel_loop3A_485, %parallel_loop3A_486, %parallel_loop3A_487] {strides = array<i32>} : memref<2x200x128xi32, #tpu.memory_space<vmem>>, vector<16xi32>,
        %parallel_loop3A_489 = arith.addi %mul3A_169, %parallel_loop3A_488 : vector<16xi32>
        tpu.vector_store_idx %arg5[%parallel_loop3A_489], %add3A_56 {add = true} : memref<65536xi32, #tpu.memory_space<vmem>>[vector<16xi32>], vector<16xi32>,
        %parallel_loop3A_490 = arith.index_cast %select_n3A_462 : i32 to index
        %parallel_loop3A_491 = arith.index_cast %parallel_loop3A_484 : i32 to index
        %parallel_loop3A_492 = arith.constant 16 : index
        %parallel_loop3A_493 = tpu.vector_load %arg4[%parallel_loop3A_490, %parallel_loop3A_491, %parallel_loop3A_492] {strides = array<i32>} : memref<2x200x128xi32, #tpu.memory_space<vmem>>, vector<16xi32>,
        %parallel_loop3A_494 = arith.addi %mul3A_206, %parallel_loop3A_493 : vector<16xi32>
        tpu.vector_store_idx %arg5[%parallel_loop3A_494], %add3A_56 {add = true} : memref<65536xi32, #tpu.memory_space<vmem>>[vector<16xi32>], vector<16xi32>,
        %parallel_loop3A_495 = arith.index_cast %select_n3A_462 : i32 to index
        %parallel_loop3A_496 = arith.index_cast %parallel_loop3A_484 : i32 to index
        %parallel_loop3A_497 = arith.constant 32 : index
        %parallel_loop3A_498 = tpu.vector_load %arg4[%parallel_loop3A_495, %parallel_loop3A_496, %parallel_loop3A_497] {strides = array<i32>} : memref<2x200x128xi32, #tpu.memory_space<vmem>>, vector<16xi32>,
        %parallel_loop3A_499 = arith.addi %mul3A_243, %parallel_loop3A_498 : vector<16xi32>
        tpu.vector_store_idx %arg5[%parallel_loop3A_499], %add3A_56 {add = true} : memref<65536xi32, #tpu.memory_space<vmem>>[vector<16xi32>], vector<16xi32>,
        %parallel_loop3A_500 = arith.index_cast %select_n3A_462 : i32 to index
        %parallel_loop3A_501 = arith.index_cast %parallel_loop3A_484 : i32 to index
        %parallel_loop3A_502 = arith.constant 48 : index
        %parallel_loop3A_503 = tpu.vector_load %arg4[%parallel_loop3A_500, %parallel_loop3A_501, %parallel_loop3A_502] {strides = array<i32>} : memref<2x200x128xi32, #tpu.memory_space<vmem>>, vector<16xi32>,
        %parallel_loop3A_504 = arith.addi %mul3A_280, %parallel_loop3A_503 : vector<16xi32>
        tpu.vector_store_idx %arg5[%parallel_loop3A_504], %add3A_56 {add = true} : memref<65536xi32, #tpu.memory_space<vmem>>[vector<16xi32>], vector<16xi32>,
        %parallel_loop3A_505 = arith.index_cast %select_n3A_462 : i32 to index
        %parallel_loop3A_506 = arith.index_cast %parallel_loop3A_484 : i32 to index
        %parallel_loop3A_507 = arith.constant 64 : index
        %parallel_loop3A_508 = tpu.vector_load %arg4[%parallel_loop3A_505, %parallel_loop3A_506, %parallel_loop3A_507] {strides = array<i32>} : memref<2x200x128xi32, #tpu.memory_space<vmem>>, vector<16xi32>,
        %parallel_loop3A_509 = arith.addi %mul3A_317, %parallel_loop3A_508 : vector<16xi32>
        tpu.vector_store_idx %arg5[%parallel_loop3A_509], %add3A_56 {add = true} : memref<65536xi32, #tpu.memory_space<vmem>>[vector<16xi32>], vector<16xi32>,
        %parallel_loop3A_510 = arith.index_cast %select_n3A_462 : i32 to index
        %parallel_loop3A_511 = arith.index_cast %parallel_loop3A_484 : i32 to index
        %parallel_loop3A_512 = arith.constant 80 : index
        %parallel_loop3A_513 = tpu.vector_load %arg4[%parallel_loop3A_510, %parallel_loop3A_511, %parallel_loop3A_512] {strides = array<i32>} : memref<2x200x128xi32, #tpu.memory_space<vmem>>, vector<16xi32>,
        %parallel_loop3A_514 = arith.addi %mul3A_354, %parallel_loop3A_513 : vector<16xi32>
        tpu.vector_store_idx %arg5[%parallel_loop3A_514], %add3A_56 {add = true} : memref<65536xi32, #tpu.memory_space<vmem>>[vector<16xi32>], vector<16xi32>,
        %parallel_loop3A_515 = arith.index_cast %select_n3A_462 : i32 to index
        %parallel_loop3A_516 = arith.index_cast %parallel_loop3A_484 : i32 to index
        %parallel_loop3A_517 = arith.constant 96 : index
        %parallel_loop3A_518 = tpu.vector_load %arg4[%parallel_loop3A_515, %parallel_loop3A_516, %parallel_loop3A_517] {strides = array<i32>} : memref<2x200x128xi32, #tpu.memory_space<vmem>>, vector<16xi32>,
        %parallel_loop3A_519 = arith.addi %mul3A_391, %parallel_loop3A_518 : vector<16xi32>
        tpu.vector_store_idx %arg5[%parallel_loop3A_519], %add3A_56 {add = true} : memref<65536xi32, #tpu.memory_space<vmem>>[vector<16xi32>], vector<16xi32>,
        %parallel_loop3A_520 = arith.index_cast %select_n3A_462 : i32 to index
        %parallel_loop3A_521 = arith.index_cast %parallel_loop3A_484 : i32 to index
        %parallel_loop3A_522 = arith.constant 112 : index
        %parallel_loop3A_523 = tpu.vector_load %arg4[%parallel_loop3A_520, %parallel_loop3A_521, %parallel_loop3A_522] {strides = array<i32>} : memref<2x200x128xi32, #tpu.memory_space<vmem>>, vector<16xi32>,
        %parallel_loop3A_524 = arith.addi %mul3A_428, %parallel_loop3A_523 : vector<16xi32>
        tpu.vector_store_idx %arg5[%parallel_loop3A_524], %add3A_56 {add = true} : memref<65536xi32, #tpu.memory_space<vmem>>[vector<16xi32>], vector<16xi32>,
      } {sc.loop_unroll_factor = 4 : i64, sc.parallel_access}
    }
    %mul3A_437 = arith.constant 4 : i32
    %mul3A_438 = arith.muli %select_n3A_9, %mul3A_437 : i32
    %add3A_439 = arith.addi %mul3A_438, %select_n3A_30 : i32
    %mul3A_440 = arith.constant 65536 : i32
    %mul3A_441 = arith.muli %add3A_439, %mul3A_440 : i32
    "tpu.region"() ({
      %run_scoped3A = tpu.sem_alloc : memref<!tpu.dma_semaphore, #tpu.memory_space<semaphore_mem>>
      %dma_start3A_442 = tpu.memref_slice %arg3[%mul3A_441] : memref<2097152xi32, #tpu.memory_space<hbm>> -> memref<65536xi32, #tpu.memory_space<hbm>>
      %dma_start3A_443 = tpu.memref_slice %arg3[%mul3A_441] : memref<2097152xi32, #tpu.memory_space<hbm>> -> memref<65536xi32, #tpu.memory_space<hbm>>
      tpu.enqueue_dma source(%arg5 : memref<65536xi32, #tpu.memory_space<vmem>>) target(%dma_start3A_443 : memref<65536xi32, #tpu.memory_space<hbm>>) target_semaphore(%run_scoped3A : memref<!tpu.dma_semaphore, #tpu.memory_space<semaphore_mem>>)
      %dma_wait3A = tpu.memref_slice %arg3[%mul3A_441] : memref<2097152xi32, #tpu.memory_space<hbm>> -> memref<65536xi32, #tpu.memory_space<hbm>>
      %dma_wait3A_444 = tpu.memref_slice %arg3[%mul3A_441] : memref<2097152xi32, #tpu.memory_space<hbm>> -> memref<65536xi32, #tpu.memory_space<hbm>>
      tpu.wait_dma2 semaphore(%run_scoped3A : memref<!tpu.dma_semaphore, #tpu.memory_space<semaphore_mem>>) src(%arg5 : memref<65536xi32, #tpu.memory_space<vmem>>) dst(%dma_wait3A_444 : memref<65536xi32, #tpu.memory_space<hbm>>)
      tpu.yield
    }) : () -> ()
    return
  }
}

module attributes {stable_mosaic.version = 14 : i64} {
  func.func @body(%arg0: memref<16384x128xi32, #tpu.memory_space<vmem>>, %arg1: memref<1000x16xf32, #tpu.memory_space<vmem>>, %arg2: memref<1024x16xf32, #tpu.memory_space<vmem>>, %arg3: memref<16x1024xf32, #tpu.memory_space<vmem>>) attributes {dimension_semantics = [], scalar_prefetch = 0 : i64, scratch_operands = 0 : i64, tpu.core_type = #tpu.core_type<tc>} {
    %get3A = arith.constant 0 : index
    %get3A_0 = arith.constant 0 : index
    %get3A_1 = vector.load %arg2[%get3A, %get3A_0] : memref<1024x16xf32, #tpu.memory_space<vmem>>, vector<1024x16xf32>
    %mul3A = arith.mulf %get3A_1, %get3A_1 : vector<1024x16xf32>
    %reduce_sum3A = arith.constant dense<0.000000e+00> : vector<1024xf32>
    %reduce_sum3A_2 = vector.multi_reduction <add>, %mul3A, %reduce_sum3A [1] : vector<1024x16xf32> to vector<1024xf32>
    %broadcast_in_dim3A = vector.shape_cast %reduce_sum3A_2 : vector<1024xf32> to vector<1024x1xf32>
    %sqrt3A = math.sqrt %broadcast_in_dim3A : vector<1024x1xf32>
    %max3A = arith.constant 9.99999996E-13 : f32
    %max3A_3 = vector.broadcast %max3A : f32 to vector<1024x1xf32>
    %max3A_4 = arith.maximumf %sqrt3A, %max3A_3 : vector<1024x1xf32>
    %div3A = arith.constant 1.000000e+00 : f32
    %div3A_5 = vector.broadcast %div3A : f32 to vector<1024x1xf32>
    %div3A_6 = arith.divf %div3A_5, %max3A_4 : vector<1024x1xf32>
    %min3A = arith.constant 1.000000e+00 : f32
    %min3A_7 = vector.broadcast %min3A : f32 to vector<1024x1xf32>
    %min3A_8 = arith.minimumf %min3A_7, %div3A_6 : vector<1024x1xf32>
    %mul3A_9 = vector.broadcast %min3A_8 : vector<1024x1xf32> to vector<1024x16xf32>
    %mul3A_10 = arith.mulf %get3A_1, %mul3A_9 : vector<1024x16xf32>
    %get3A_11 = arith.constant 0 : index
    %get3A_12 = arith.constant 0 : index
    %get3A_13 = vector.load %arg1[%get3A_11, %get3A_12] : memref<1000x16xf32, #tpu.memory_space<vmem>>, vector<1000x16xf32>
    %mul3A_14 = arith.mulf %get3A_13, %get3A_13 : vector<1000x16xf32>
    %reduce_sum3A_15 = arith.constant dense<0.000000e+00> : vector<1000xf32>
    %reduce_sum3A_16 = vector.multi_reduction <add>, %mul3A_14, %reduce_sum3A_15 [1] : vector<1000x16xf32> to vector<1000xf32>
    %broadcast_in_dim3A_17 = vector.shape_cast %reduce_sum3A_16 : vector<1000xf32> to vector<1000x1xf32>
    %sqrt3A_18 = math.sqrt %broadcast_in_dim3A_17 : vector<1000x1xf32>
    %max3A_19 = arith.constant 9.99999996E-13 : f32
    %max3A_20 = vector.broadcast %max3A_19 : f32 to vector<1000x1xf32>
    %max3A_21 = arith.maximumf %sqrt3A_18, %max3A_20 : vector<1000x1xf32>
    %div3A_22 = arith.constant 1.000000e+00 : f32
    %div3A_23 = vector.broadcast %div3A_22 : f32 to vector<1000x1xf32>
    %div3A_24 = arith.divf %div3A_23, %max3A_21 : vector<1000x1xf32>
    %min3A_25 = arith.constant 1.000000e+00 : f32
    %min3A_26 = vector.broadcast %min3A_25 : f32 to vector<1000x1xf32>
    %min3A_27 = arith.minimumf %min3A_26, %div3A_24 : vector<1000x1xf32>
    %mul3A_28 = vector.broadcast %min3A_27 : vector<1000x1xf32> to vector<1000x16xf32>
    %mul3A_29 = arith.mulf %get3A_13, %mul3A_28 : vector<1000x16xf32>
    %reduce_sum3A_30 = arith.constant dense<0.000000e+00> : vector<16xf32>
    %reduce_sum3A_31 = vector.multi_reduction <add>, %mul3A_29, %reduce_sum3A_30 [0] : vector<1000x16xf32> to vector<16xf32>
    %broadcast_in_dim3A_32 = vector.shape_cast %reduce_sum3A_31 : vector<16xf32> to vector<1x16xf32>
    %mul3A_33 = arith.constant 1.000000e-03 : f32
    %mul3A_34 = vector.broadcast %mul3A_33 : f32 to vector<1x16xf32>
    %mul3A_35 = arith.mulf %broadcast_in_dim3A_32, %mul3A_34 : vector<1x16xf32>
    %get3A_36 = arith.constant 0 : index
    %get3A_37 = arith.constant 0 : index
    %get3A_38 = vector.load %arg0[%get3A_36, %get3A_37] : memref<16384x128xi32, #tpu.memory_space<vmem>>, vector<16384x128xi32>
    %reshape3A = vector.shape_cast %get3A_38 : vector<16384x128xi32> to vector<8x4x64x8x128xi32>
    %reduce_sum3A_39 = arith.constant dense<0> : vector<8x64x8x128xi32>
    %reduce_sum3A_40 = vector.multi_reduction <add>, %reshape3A, %reduce_sum3A_39 [1] : vector<8x4x64x8x128xi32> to vector<8x64x8x128xi32>
    %broadcast_in_dim3A_41 = arith.constant 0.000000e+00 : f32
    %broadcast_in_dim3A_42 = vector.broadcast %broadcast_in_dim3A_41 : f32 to vector<512x16xf32>
    %broadcast_in_dim3A_43 = arith.constant 0.000000e+00 : f32
    %broadcast_in_dim3A_44 = vector.broadcast %broadcast_in_dim3A_43 : f32 to vector<512x16xf32>
    %slice3A = vector.extract_strided_slice %reduce_sum3A_40 {offsets = [0, 0, 0, 0], sizes = [8, 64, 1, 128], strides = [1, 1, 1, 1]} : vector<8x64x8x128xi32> to vector<8x64x1x128xi32>
    %squeeze3A = vector.shape_cast %slice3A : vector<8x64x1x128xi32> to vector<8x64x128xi32>
    %reshape3A_45 = vector.shape_cast %squeeze3A : vector<8x64x128xi32> to vector<512x128xi32>
    %and3A = arith.constant 65535 : i32
    %and3A_46 = vector.broadcast %and3A : i32 to vector<512x128xi32>
    %and3A_47 = arith.andi %reshape3A_45, %and3A_46 : vector<512x128xi32>
    %convert_element_type3A = arith.sitofp %and3A_47 : vector<512x128xi32> to vector<512x128xf32>
    %shift_right_logical3A = arith.constant 16 : i32
    %shift_right_logical3A_48 = vector.broadcast %shift_right_logical3A : i32 to vector<512x128xi32>
    %shift_right_logical3A_49 = arith.shrui %reshape3A_45, %shift_right_logical3A_48 : vector<512x128xi32>
    %convert_element_type3A_50 = arith.sitofp %shift_right_logical3A_49 : vector<512x128xi32> to vector<512x128xf32>
    %slice3A_51 = vector.extract_strided_slice %mul3A_10 {offsets = [0, 0], sizes = [128, 16], strides = [1, 1]} : vector<1024x16xf32> to vector<128x16xf32>
    %dot_general3A = arith.constant dense<0.000000e+00> : vector<512x16xf32>
    %dot_general3A_52 = tpu.matmul %convert_element_type3A, %slice3A_51, %dot_general3A {dimension_numbers = #tpu.dot_dimension_numbers<[1], [0], [0], [1], [0, 0, 1, 1], [], []>, transpose_lhs_hint = false} : vector<512x128xf32>, vector<128x16xf32>, vector<512x16xf32> -> vector<512x16xf32>
    %add3A = arith.addf %broadcast_in_dim3A_42, %dot_general3A_52 : vector<512x16xf32>
    %dot_general3A_53 = arith.constant dense<0.000000e+00> : vector<512x16xf32>
    %dot_general3A_54 = tpu.matmul %convert_element_type3A_50, %slice3A_51, %dot_general3A_53 {dimension_numbers = #tpu.dot_dimension_numbers<[1], [0], [0], [1], [0, 0, 1, 1], [], []>, transpose_lhs_hint = false} : vector<512x128xf32>, vector<128x16xf32>, vector<512x16xf32> -> vector<512x16xf32>
    %add3A_55 = arith.addf %broadcast_in_dim3A_44, %dot_general3A_54 : vector<512x16xf32>
    %slice3A_56 = vector.extract_strided_slice %reduce_sum3A_40 {offsets = [0, 0, 1, 0], sizes = [8, 64, 1, 128], strides = [1, 1, 1, 1]} : vector<8x64x8x128xi32> to vector<8x64x1x128xi32>
    %squeeze3A_57 = vector.shape_cast %slice3A_56 : vector<8x64x1x128xi32> to vector<8x64x128xi32>
    %reshape3A_58 = vector.shape_cast %squeeze3A_57 : vector<8x64x128xi32> to vector<512x128xi32>
    %and3A_59 = arith.constant 65535 : i32
    %and3A_60 = vector.broadcast %and3A_59 : i32 to vector<512x128xi32>
    %and3A_61 = arith.andi %reshape3A_58, %and3A_60 : vector<512x128xi32>
    %convert_element_type3A_62 = arith.sitofp %and3A_61 : vector<512x128xi32> to vector<512x128xf32>
    %shift_right_logical3A_63 = arith.constant 16 : i32
    %shift_right_logical3A_64 = vector.broadcast %shift_right_logical3A_63 : i32 to vector<512x128xi32>
    %shift_right_logical3A_65 = arith.shrui %reshape3A_58, %shift_right_logical3A_64 : vector<512x128xi32>
    %convert_element_type3A_66 = arith.sitofp %shift_right_logical3A_65 : vector<512x128xi32> to vector<512x128xf32>
    %slice3A_67 = vector.extract_strided_slice %mul3A_10 {offsets = [128, 0], sizes = [128, 16], strides = [1, 1]} : vector<1024x16xf32> to vector<128x16xf32>
    %dot_general3A_68 = arith.constant dense<0.000000e+00> : vector<512x16xf32>
    %dot_general3A_69 = tpu.matmul %convert_element_type3A_62, %slice3A_67, %dot_general3A_68 {dimension_numbers = #tpu.dot_dimension_numbers<[1], [0], [0], [1], [0, 0, 1, 1], [], []>, transpose_lhs_hint = false} : vector<512x128xf32>, vector<128x16xf32>, vector<512x16xf32> -> vector<512x16xf32>
    %add3A_70 = arith.addf %add3A, %dot_general3A_69 : vector<512x16xf32>
    %dot_general3A_71 = arith.constant dense<0.000000e+00> : vector<512x16xf32>
    %dot_general3A_72 = tpu.matmul %convert_element_type3A_66, %slice3A_67, %dot_general3A_71 {dimension_numbers = #tpu.dot_dimension_numbers<[1], [0], [0], [1], [0, 0, 1, 1], [], []>, transpose_lhs_hint = false} : vector<512x128xf32>, vector<128x16xf32>, vector<512x16xf32> -> vector<512x16xf32>
    %add3A_73 = arith.addf %add3A_55, %dot_general3A_72 : vector<512x16xf32>
    %slice3A_74 = vector.extract_strided_slice %reduce_sum3A_40 {offsets = [0, 0, 2, 0], sizes = [8, 64, 1, 128], strides = [1, 1, 1, 1]} : vector<8x64x8x128xi32> to vector<8x64x1x128xi32>
    %squeeze3A_75 = vector.shape_cast %slice3A_74 : vector<8x64x1x128xi32> to vector<8x64x128xi32>
    %reshape3A_76 = vector.shape_cast %squeeze3A_75 : vector<8x64x128xi32> to vector<512x128xi32>
    %and3A_77 = arith.constant 65535 : i32
    %and3A_78 = vector.broadcast %and3A_77 : i32 to vector<512x128xi32>
    %and3A_79 = arith.andi %reshape3A_76, %and3A_78 : vector<512x128xi32>
    %convert_element_type3A_80 = arith.sitofp %and3A_79 : vector<512x128xi32> to vector<512x128xf32>
    %shift_right_logical3A_81 = arith.constant 16 : i32
    %shift_right_logical3A_82 = vector.broadcast %shift_right_logical3A_81 : i32 to vector<512x128xi32>
    %shift_right_logical3A_83 = arith.shrui %reshape3A_76, %shift_right_logical3A_82 : vector<512x128xi32>
    %convert_element_type3A_84 = arith.sitofp %shift_right_logical3A_83 : vector<512x128xi32> to vector<512x128xf32>
    %slice3A_85 = vector.extract_strided_slice %mul3A_10 {offsets = [256, 0], sizes = [128, 16], strides = [1, 1]} : vector<1024x16xf32> to vector<128x16xf32>
    %dot_general3A_86 = arith.constant dense<0.000000e+00> : vector<512x16xf32>
    %dot_general3A_87 = tpu.matmul %convert_element_type3A_80, %slice3A_85, %dot_general3A_86 {dimension_numbers = #tpu.dot_dimension_numbers<[1], [0], [0], [1], [0, 0, 1, 1], [], []>, transpose_lhs_hint = false} : vector<512x128xf32>, vector<128x16xf32>, vector<512x16xf32> -> vector<512x16xf32>
    %add3A_88 = arith.addf %add3A_70, %dot_general3A_87 : vector<512x16xf32>
    %dot_general3A_89 = arith.constant dense<0.000000e+00> : vector<512x16xf32>
    %dot_general3A_90 = tpu.matmul %convert_element_type3A_84, %slice3A_85, %dot_general3A_89 {dimension_numbers = #tpu.dot_dimension_numbers<[1], [0], [0], [1], [0, 0, 1, 1], [], []>, transpose_lhs_hint = false} : vector<512x128xf32>, vector<128x16xf32>, vector<512x16xf32> -> vector<512x16xf32>
    %add3A_91 = arith.addf %add3A_73, %dot_general3A_90 : vector<512x16xf32>
    %slice3A_92 = vector.extract_strided_slice %reduce_sum3A_40 {offsets = [0, 0, 3, 0], sizes = [8, 64, 1, 128], strides = [1, 1, 1, 1]} : vector<8x64x8x128xi32> to vector<8x64x1x128xi32>
    %squeeze3A_93 = vector.shape_cast %slice3A_92 : vector<8x64x1x128xi32> to vector<8x64x128xi32>
    %reshape3A_94 = vector.shape_cast %squeeze3A_93 : vector<8x64x128xi32> to vector<512x128xi32>
    %and3A_95 = arith.constant 65535 : i32
    %and3A_96 = vector.broadcast %and3A_95 : i32 to vector<512x128xi32>
    %and3A_97 = arith.andi %reshape3A_94, %and3A_96 : vector<512x128xi32>
    %convert_element_type3A_98 = arith.sitofp %and3A_97 : vector<512x128xi32> to vector<512x128xf32>
    %shift_right_logical3A_99 = arith.constant 16 : i32
    %shift_right_logical3A_100 = vector.broadcast %shift_right_logical3A_99 : i32 to vector<512x128xi32>
    %shift_right_logical3A_101 = arith.shrui %reshape3A_94, %shift_right_logical3A_100 : vector<512x128xi32>
    %convert_element_type3A_102 = arith.sitofp %shift_right_logical3A_101 : vector<512x128xi32> to vector<512x128xf32>
    %slice3A_103 = vector.extract_strided_slice %mul3A_10 {offsets = [384, 0], sizes = [128, 16], strides = [1, 1]} : vector<1024x16xf32> to vector<128x16xf32>
    %dot_general3A_104 = arith.constant dense<0.000000e+00> : vector<512x16xf32>
    %dot_general3A_105 = tpu.matmul %convert_element_type3A_98, %slice3A_103, %dot_general3A_104 {dimension_numbers = #tpu.dot_dimension_numbers<[1], [0], [0], [1], [0, 0, 1, 1], [], []>, transpose_lhs_hint = false} : vector<512x128xf32>, vector<128x16xf32>, vector<512x16xf32> -> vector<512x16xf32>
    %add3A_106 = arith.addf %add3A_88, %dot_general3A_105 : vector<512x16xf32>
    %dot_general3A_107 = arith.constant dense<0.000000e+00> : vector<512x16xf32>
    %dot_general3A_108 = tpu.matmul %convert_element_type3A_102, %slice3A_103, %dot_general3A_107 {dimension_numbers = #tpu.dot_dimension_numbers<[1], [0], [0], [1], [0, 0, 1, 1], [], []>, transpose_lhs_hint = false} : vector<512x128xf32>, vector<128x16xf32>, vector<512x16xf32> -> vector<512x16xf32>
    %add3A_109 = arith.addf %add3A_91, %dot_general3A_108 : vector<512x16xf32>
    %slice3A_110 = vector.extract_strided_slice %reduce_sum3A_40 {offsets = [0, 0, 4, 0], sizes = [8, 64, 1, 128], strides = [1, 1, 1, 1]} : vector<8x64x8x128xi32> to vector<8x64x1x128xi32>
    %squeeze3A_111 = vector.shape_cast %slice3A_110 : vector<8x64x1x128xi32> to vector<8x64x128xi32>
    %reshape3A_112 = vector.shape_cast %squeeze3A_111 : vector<8x64x128xi32> to vector<512x128xi32>
    %and3A_113 = arith.constant 65535 : i32
    %and3A_114 = vector.broadcast %and3A_113 : i32 to vector<512x128xi32>
    %and3A_115 = arith.andi %reshape3A_112, %and3A_114 : vector<512x128xi32>
    %convert_element_type3A_116 = arith.sitofp %and3A_115 : vector<512x128xi32> to vector<512x128xf32>
    %shift_right_logical3A_117 = arith.constant 16 : i32
    %shift_right_logical3A_118 = vector.broadcast %shift_right_logical3A_117 : i32 to vector<512x128xi32>
    %shift_right_logical3A_119 = arith.shrui %reshape3A_112, %shift_right_logical3A_118 : vector<512x128xi32>
    %convert_element_type3A_120 = arith.sitofp %shift_right_logical3A_119 : vector<512x128xi32> to vector<512x128xf32>
    %slice3A_121 = vector.extract_strided_slice %mul3A_10 {offsets = [512, 0], sizes = [128, 16], strides = [1, 1]} : vector<1024x16xf32> to vector<128x16xf32>
    %dot_general3A_122 = arith.constant dense<0.000000e+00> : vector<512x16xf32>
    %dot_general3A_123 = tpu.matmul %convert_element_type3A_116, %slice3A_121, %dot_general3A_122 {dimension_numbers = #tpu.dot_dimension_numbers<[1], [0], [0], [1], [0, 0, 1, 1], [], []>, transpose_lhs_hint = false} : vector<512x128xf32>, vector<128x16xf32>, vector<512x16xf32> -> vector<512x16xf32>
    %add3A_124 = arith.addf %add3A_106, %dot_general3A_123 : vector<512x16xf32>
    %dot_general3A_125 = arith.constant dense<0.000000e+00> : vector<512x16xf32>
    %dot_general3A_126 = tpu.matmul %convert_element_type3A_120, %slice3A_121, %dot_general3A_125 {dimension_numbers = #tpu.dot_dimension_numbers<[1], [0], [0], [1], [0, 0, 1, 1], [], []>, transpose_lhs_hint = false} : vector<512x128xf32>, vector<128x16xf32>, vector<512x16xf32> -> vector<512x16xf32>
    %add3A_127 = arith.addf %add3A_109, %dot_general3A_126 : vector<512x16xf32>
    %slice3A_128 = vector.extract_strided_slice %reduce_sum3A_40 {offsets = [0, 0, 5, 0], sizes = [8, 64, 1, 128], strides = [1, 1, 1, 1]} : vector<8x64x8x128xi32> to vector<8x64x1x128xi32>
    %squeeze3A_129 = vector.shape_cast %slice3A_128 : vector<8x64x1x128xi32> to vector<8x64x128xi32>
    %reshape3A_130 = vector.shape_cast %squeeze3A_129 : vector<8x64x128xi32> to vector<512x128xi32>
    %and3A_131 = arith.constant 65535 : i32
    %and3A_132 = vector.broadcast %and3A_131 : i32 to vector<512x128xi32>
    %and3A_133 = arith.andi %reshape3A_130, %and3A_132 : vector<512x128xi32>
    %convert_element_type3A_134 = arith.sitofp %and3A_133 : vector<512x128xi32> to vector<512x128xf32>
    %shift_right_logical3A_135 = arith.constant 16 : i32
    %shift_right_logical3A_136 = vector.broadcast %shift_right_logical3A_135 : i32 to vector<512x128xi32>
    %shift_right_logical3A_137 = arith.shrui %reshape3A_130, %shift_right_logical3A_136 : vector<512x128xi32>
    %convert_element_type3A_138 = arith.sitofp %shift_right_logical3A_137 : vector<512x128xi32> to vector<512x128xf32>
    %slice3A_139 = vector.extract_strided_slice %mul3A_10 {offsets = [640, 0], sizes = [128, 16], strides = [1, 1]} : vector<1024x16xf32> to vector<128x16xf32>
    %dot_general3A_140 = arith.constant dense<0.000000e+00> : vector<512x16xf32>
    %dot_general3A_141 = tpu.matmul %convert_element_type3A_134, %slice3A_139, %dot_general3A_140 {dimension_numbers = #tpu.dot_dimension_numbers<[1], [0], [0], [1], [0, 0, 1, 1], [], []>, transpose_lhs_hint = false} : vector<512x128xf32>, vector<128x16xf32>, vector<512x16xf32> -> vector<512x16xf32>
    %add3A_142 = arith.addf %add3A_124, %dot_general3A_141 : vector<512x16xf32>
    %dot_general3A_143 = arith.constant dense<0.000000e+00> : vector<512x16xf32>
    %dot_general3A_144 = tpu.matmul %convert_element_type3A_138, %slice3A_139, %dot_general3A_143 {dimension_numbers = #tpu.dot_dimension_numbers<[1], [0], [0], [1], [0, 0, 1, 1], [], []>, transpose_lhs_hint = false} : vector<512x128xf32>, vector<128x16xf32>, vector<512x16xf32> -> vector<512x16xf32>
    %add3A_145 = arith.addf %add3A_127, %dot_general3A_144 : vector<512x16xf32>
    %slice3A_146 = vector.extract_strided_slice %reduce_sum3A_40 {offsets = [0, 0, 6, 0], sizes = [8, 64, 1, 128], strides = [1, 1, 1, 1]} : vector<8x64x8x128xi32> to vector<8x64x1x128xi32>
    %squeeze3A_147 = vector.shape_cast %slice3A_146 : vector<8x64x1x128xi32> to vector<8x64x128xi32>
    %reshape3A_148 = vector.shape_cast %squeeze3A_147 : vector<8x64x128xi32> to vector<512x128xi32>
    %and3A_149 = arith.constant 65535 : i32
    %and3A_150 = vector.broadcast %and3A_149 : i32 to vector<512x128xi32>
    %and3A_151 = arith.andi %reshape3A_148, %and3A_150 : vector<512x128xi32>
    %convert_element_type3A_152 = arith.sitofp %and3A_151 : vector<512x128xi32> to vector<512x128xf32>
    %shift_right_logical3A_153 = arith.constant 16 : i32
    %shift_right_logical3A_154 = vector.broadcast %shift_right_logical3A_153 : i32 to vector<512x128xi32>
    %shift_right_logical3A_155 = arith.shrui %reshape3A_148, %shift_right_logical3A_154 : vector<512x128xi32>
    %convert_element_type3A_156 = arith.sitofp %shift_right_logical3A_155 : vector<512x128xi32> to vector<512x128xf32>
    %slice3A_157 = vector.extract_strided_slice %mul3A_10 {offsets = [768, 0], sizes = [128, 16], strides = [1, 1]} : vector<1024x16xf32> to vector<128x16xf32>
    %dot_general3A_158 = arith.constant dense<0.000000e+00> : vector<512x16xf32>
    %dot_general3A_159 = tpu.matmul %convert_element_type3A_152, %slice3A_157, %dot_general3A_158 {dimension_numbers = #tpu.dot_dimension_numbers<[1], [0], [0], [1], [0, 0, 1, 1], [], []>, transpose_lhs_hint = false} : vector<512x128xf32>, vector<128x16xf32>, vector<512x16xf32> -> vector<512x16xf32>
    %add3A_160 = arith.addf %add3A_142, %dot_general3A_159 : vector<512x16xf32>
    %dot_general3A_161 = arith.constant dense<0.000000e+00> : vector<512x16xf32>
    %dot_general3A_162 = tpu.matmul %convert_element_type3A_156, %slice3A_157, %dot_general3A_161 {dimension_numbers = #tpu.dot_dimension_numbers<[1], [0], [0], [1], [0, 0, 1, 1], [], []>, transpose_lhs_hint = false} : vector<512x128xf32>, vector<128x16xf32>, vector<512x16xf32> -> vector<512x16xf32>
    %add3A_163 = arith.addf %add3A_145, %dot_general3A_162 : vector<512x16xf32>
    %slice3A_164 = vector.extract_strided_slice %reduce_sum3A_40 {offsets = [0, 0, 7, 0], sizes = [8, 64, 1, 128], strides = [1, 1, 1, 1]} : vector<8x64x8x128xi32> to vector<8x64x1x128xi32>
    %squeeze3A_165 = vector.shape_cast %slice3A_164 : vector<8x64x1x128xi32> to vector<8x64x128xi32>
    %reshape3A_166 = vector.shape_cast %squeeze3A_165 : vector<8x64x128xi32> to vector<512x128xi32>
    %and3A_167 = arith.constant 65535 : i32
    %and3A_168 = vector.broadcast %and3A_167 : i32 to vector<512x128xi32>
    %and3A_169 = arith.andi %reshape3A_166, %and3A_168 : vector<512x128xi32>
    %convert_element_type3A_170 = arith.sitofp %and3A_169 : vector<512x128xi32> to vector<512x128xf32>
    %shift_right_logical3A_171 = arith.constant 16 : i32
    %shift_right_logical3A_172 = vector.broadcast %shift_right_logical3A_171 : i32 to vector<512x128xi32>
    %shift_right_logical3A_173 = arith.shrui %reshape3A_166, %shift_right_logical3A_172 : vector<512x128xi32>
    %convert_element_type3A_174 = arith.sitofp %shift_right_logical3A_173 : vector<512x128xi32> to vector<512x128xf32>
    %slice3A_175 = vector.extract_strided_slice %mul3A_10 {offsets = [896, 0], sizes = [128, 16], strides = [1, 1]} : vector<1024x16xf32> to vector<128x16xf32>
    %dot_general3A_176 = arith.constant dense<0.000000e+00> : vector<512x16xf32>
    %dot_general3A_177 = tpu.matmul %convert_element_type3A_170, %slice3A_175, %dot_general3A_176 {dimension_numbers = #tpu.dot_dimension_numbers<[1], [0], [0], [1], [0, 0, 1, 1], [], []>, transpose_lhs_hint = false} : vector<512x128xf32>, vector<128x16xf32>, vector<512x16xf32> -> vector<512x16xf32>
    %add3A_178 = arith.addf %add3A_160, %dot_general3A_177 : vector<512x16xf32>
    %dot_general3A_179 = arith.constant dense<0.000000e+00> : vector<512x16xf32>
    %dot_general3A_180 = tpu.matmul %convert_element_type3A_174, %slice3A_175, %dot_general3A_179 {dimension_numbers = #tpu.dot_dimension_numbers<[1], [0], [0], [1], [0, 0, 1, 1], [], []>, transpose_lhs_hint = false} : vector<512x128xf32>, vector<128x16xf32>, vector<512x16xf32> -> vector<512x16xf32>
    %add3A_181 = arith.addf %add3A_163, %dot_general3A_180 : vector<512x16xf32>
    %stack3A = vector.shape_cast %add3A_178 : vector<512x16xf32> to vector<512x1x16xf32>
    %stack3A_182 = vector.shape_cast %add3A_181 : vector<512x16xf32> to vector<512x1x16xf32>
    %stack3A_183 = tpu.concatenate %stack3A, %stack3A_182 in 1 : vector<512x1x16xf32>, vector<512x1x16xf32> -> vector<512x2x16xf32>
    %reshape3A_184 = vector.shape_cast %stack3A_183 : vector<512x2x16xf32> to vector<1024x16xf32>
    %mul3A_185 = arith.constant 1.000000e-03 : f32
    %mul3A_186 = vector.broadcast %mul3A_185 : f32 to vector<1024x16xf32>
    %mul3A_187 = arith.mulf %reshape3A_184, %mul3A_186 : vector<1024x16xf32>
    %add3A_188 = vector.broadcast %mul3A_35 : vector<1x16xf32> to vector<1024x16xf32>
    %add3A_189 = arith.addf %mul3A_187, %add3A_188 : vector<1024x16xf32>
    %transpose3A = tpu.transpose %add3A_189, [1, 0] : vector<1024x16xf32> -> vector<16x1024xf32>
    %swap3A = arith.constant 0 : index
    %swap3A_190 = arith.constant 0 : index
    %swap3A_191 = vector.load %arg3[%swap3A, %swap3A_190] : memref<16x1024xf32, #tpu.memory_space<vmem>>, vector<16x1024xf32>
    tpu.vector_store %arg3[%swap3A, %swap3A_190], %transpose3A {strides = array<i32>} : memref<16x1024xf32, #tpu.memory_space<vmem>>, vector<16x1024xf32>,
    return
  }
}

</mosaic_0001>

<sc_bundles>
// kernel: kernel.4.cloned.1.call-start
scs
__scs_entry_jumppad:
0x0: {  	(pc) =	sbr.rel $0x88, $3  }
0x1: {  	(tag) =	ssettag $0x0;
	lr =	simm.s32 $0x1  }
0x2: {  	[smem:$0x3F9E] =	sst lr;
	_ =	strace $0xD0000000  }
0x3: {  	_ = 	snop  }
0x4: {  	_ = 	snop  }
0x5: {  	_ = 	snop  }
0x6: {  	_ = 	snop  }
0x7: {  	_ = 	snop  }
__scs_overlays_trampoline_lowered:
0x8: {  	[smem:$0x3FAD] =	sst s0  }
0x9: {  	[smem:$0x3FAE] =	sst s1  }
0xa: {  	[smem:$0x3FAF] =	sst s2  }
0xb: {  	[smem:$0x3FB0] =	sst s3  }
0xc: {  	[smem:$0x3FB1] =	sst s4  }
0xd: {  	[smem:$0x3FB2] =	sst s5  }
0xe: {  	[smem:$0x3FB3] =	sst s6  }
0xf: {  	[smem:$0x3FB4] =	sst s7  }
0x10: {  	[smem:$0x3FB5] =	sst s8  }
0x11: {  	[smem:$0x3FB6] =	sst s9;
	s0 =	simm.s32 @!p0 $0x0  }
0x12: {  	s1 =	sld [smem:$0x3F9C];
	s0 =	simm.s32 @p0 $0x1  }
0x13: {  	[smem:$0x3FB7] =	sst s0;
	s0 =	simm.s32 @!p1 $0x0  }
0x14: {  	s2 =	sld [smem:$0x3F9B];
	s0 =	simm.s32 @p1 $0x1  }
0x15: {  	[smem:$0x3FB8] =	sst s0;
	s0 =	simm.s32 @!p2 $0x0  }
0x16: {  	s3 =	sld [smem:$0x3FDB];
	s0 =	simm.s32 @p2 $0x1  }
0x17: {  	s4 =	simm.s32 $0x1BF5;
	[smem:$0x3FBA] =	sst s0  }
0x18: {  	s0 =	sld [smem:$0x3F9D];
	_ =	swait.ge [sflag:s4], $0x0  }
0x19: {  	s7 =	sld [smem:$0x3F9E]  }
0x1a: {  	s8 =	sadd.s32 $0xFFFFE003, lr  }
0x1b: {  	s9 =	sadd.s32 $0xFFFFFEF7, lr;
	s5 =	simm.s32 $0xFFFFFFFF;
	p2 =	slt.u32 s8, $0xFFFFF086  }
0x1c: {  	p1 =	slt.u32 s9, $0xF7A;
	s5 =	simm.s32 @!p2 $0x0  }
0x1d: {  	s5 =	simm.s32 @p1 $0x1;
	p0 =	seq.s32 s7, s2  }
0x1e: {  	s7 =	smul.u32 @!p0 $0xF7A, s2;
	p2 =	seq.s32 @!p0 s5, $0x0  }
0x1f: {  	s9 =	smul.u32 $0xF7A, s1;
	s8 =	simm.s32 @!p0 $0x1BF5;
	p2 =	por !p2, p0  }
0x20: {  	[sflag:s8] =	ssyncset.s32 @!p0 $0xFFFFF086;
	s6 =	sadd.s32 @!p0 s3, s7;
	s7 =	simm.s32 @!p0 $0x108  }
0x21: {  	s3 =	sadd.s32 s3, s9;
	s6 =	sadd.s32 @!p0 $0x88, s6;
	s7 =	simm.s32 @p2 $0x1082  }
0x22: {  	[simem:s7], [sflag:s8] =	dma.local @!p0 [hbm:s6], $0xF7A  }
0x23: {  	s9 =	sor.u32 $0xD0000000, s2;
	s6 =	simm.s32 $0x108;
	_ =	swait.ge @!p0 [sflag:s8], $0x0  }
0x24: {  	s3 =	sadd.s32 $0x88, s3;
	s6 =	simm.s32 @!p1 $0x1082;
	[sflag:s4] =	ssyncset.s32 $0xFFFFF086  }
0x25: {  	[simem:s6], [sflag:s4] =	dma.local [hbm:s3], $0xF7A  }
0x26: {  	[smem:$0x3F9E] =	sst s1;
	(tag) =	ssettag s2;
	_ =	strace s9  }
0x27: {  	s1 =	sld [smem:$0x3FAE]  }
0x28: {  	s2 =	sld [smem:$0x3FAF]  }
0x29: {  	s4 =	sld [smem:$0x3FB1]  }
0x2a: {  	p0 =	seq.s32 s5, $0x0;
	s5 =	sld [smem:$0x3FB2]  }
0x2b: {  	s6 =	sld [smem:$0x3FB3]  }
0x2c: {  	s7 =	sld [smem:$0x3FB4]  }
0x2d: {  	s3 =	simm.s32 $0x108;
	s8 =	sld [smem:$0x3FB5]  }
0x2e: {  	s3 =	simm.s32 @!p0 $0x1082;
	s9 =	sld [smem:$0x3FB6]  }
0x2f: {  	lr =	sadd.s32 s0, s3;
	s0 =	sld [smem:$0x3FAD]  }
0x30: {  	s3 =	sld [smem:$0x3FB0]  }
0x31: {  	[smem:$0x3FB9] =	sst s10  }
0x32: {  	s10 =	sld [smem:$0x3FB7];
	_ =	sdelay $0x3  }
0x33: {  	p0 =	seq.s32 s10, $0x1;
	s10 =	sld [smem:$0x3FB9];
	_ =	sdelay $0x3  }
0x34: {  	[smem:$0x3FB9] =	sst s10  }
0x35: {  	s10 =	sld [smem:$0x3FB8];
	_ =	sdelay $0x3  }
0x36: {  	p1 =	seq.s32 s10, $0x1;
	s10 =	sld [smem:$0x3FB9];
	_ =	sdelay $0x3  }
0x37: {  	[smem:$0x3FB9] =	sst s10  }
0x38: {  	s10 =	sld [smem:$0x3FBA]  }
0x39: {  	_ = 	snop;
	(pc) =	sbr.ind lr, $3  }
0x3a: {  	_ = 	snop  }
0x3b: {  	_ = 	snop  }
0x3c: {  	p2 =	seq.s32 s10, $0x1;
	s10 =	sld [smem:$0x3FB9]  }
0x3d: {  	_ =	shalt  }
0x3e: {  	_ =	shalt  }
0x3f: {  	_ =	shalt  }
0x40: {  	_ =	shalt  }
0x41: {  	_ =	shalt  }
0x42: {  	_ =	shalt  }
0x43: {  	_ =	shalt  }
0x44: {  	_ =	shalt  }
0x45: {  	_ =	shalt  }
0x46: {  	_ =	shalt  }
0x47: {  	_ =	shalt  }
0x48: {  	_ =	shalt  }
0x49: {  	_ =	shalt  }
0x4a: {  	_ =	shalt  }
0x4b: {  	_ =	shalt  }
0x4c: {  	_ =	shalt  }
0x4d: {  	_ =	shalt  }
0x4e: {  	_ =	shalt  }
0x4f: {  	_ =	shalt  }
0x50: {  	_ =	shalt  }
0x51: {  	_ =	shalt  }
0x52: {  	_ =	shalt  }
0x53: {  	_ =	shalt  }
0x54: {  	_ =	shalt  }
0x55: {  	_ =	shalt  }
0x56: {  	_ =	shalt  }
0x57: {  	_ =	shalt  }
0x58: {  	_ =	shalt  }
0x59: {  	_ =	shalt  }
0x5a: {  	_ =	shalt  }
0x5b: {  	_ =	shalt  }
0x5c: {  	_ =	shalt  }
0x5d: {  	_ =	shalt  }
0x5e: {  	_ =	shalt  }
0x5f: {  	_ =	shalt  }
0x60: {  	_ =	shalt  }
0x61: {  	_ =	shalt  }
0x62: {  	_ =	shalt  }
0x63: {  	_ =	shalt  }
0x64: {  	_ =	shalt  }
0x65: {  	_ =	shalt  }
0x66: {  	_ =	shalt  }
0x67: {  	_ =	shalt  }
0x68: {  	_ =	shalt  }
0x69: {  	_ =	shalt  }
0x6a: {  	_ =	shalt  }
0x6b: {  	_ =	shalt  }
0x6c: {  	_ =	shalt  }
0x6d: {  	_ =	shalt  }
0x6e: {  	_ =	shalt  }
0x6f: {  	_ =	shalt  }
0x70: {  	_ =	shalt  }
0x71: {  	_ =	shalt  }
0x72: {  	_ =	shalt  }
0x73: {  	_ =	shalt  }
0x74: {  	_ =	shalt  }
0x75: {  	_ =	shalt  }
0x76: {  	_ =	shalt  }
0x77: {  	_ =	shalt  }
0x78: {  	_ =	shalt  }
0x79: {  	_ =	shalt  }
0x7a: {  	_ =	shalt  }
0x7b: {  	_ =	shalt  }
0x7c: {  	_ =	shalt  }
0x7d: {  	_ =	shalt  }
0x7e: {  	_ =	shalt  }
0x7f: {  	_ =	shalt  }
0x80: {  	_ =	shalt  }
0x81: {  	_ =	shalt  }
0x82: {  	_ =	shalt  }
0x83: {  	_ =	shalt  }
0x84: {  	_ =	shalt  }
0x85: {  	_ =	shalt  }
0x86: {  	_ =	shalt  }
0x87: {  	_ =	shalt  }
.Lfunc_end0:
.L_simem_size_0:
called_computation_lowered:
.L_overlay_start_0:
0x88: {  	s2 =	sld [smem:$0x3FD9]  }
0x89: {  	s3 =	sld [smem:$0x3FFE];
	_ =	sdelay $0x1  }
0x8a: {  	s1 =	srdreg.scid  }
0x8b: {  	s0 =	sand.u32 $0x1, s1  }
0x8c: {  	s17 =	sshll.u32 s0, $0xA;
	s2 =	sadd.s32 s3, s2  }
0x8d: {  	s2 =	sadd.s32 s2, s17  }
0x8e: {  	[smem:$0x3FC5] =	sst s2  }
0x8f: {  	_ = 	snop  }
0x90: {  	s2 =	sld [smem:$0x3FC9];
	(tm) =	ssettm $0x1  }
0x91: {  	s18 =	sld [smem:$0x3FFB];
	_ =	sdelay $0x3  }
0x92: {  	_ =	strace s18  }
0x93: {  	s3 =	sld [smem:$0x3FFC];
	_ =	sdelay $0x3  }
0x94: {  	_ =	strace s3  }
0x95: {  	s3 =	sld [smem:$0x3FFD];
	_ =	sdelay $0x3  }
0x96: {  	_ =	strace s3  }
0x97: {  	_ =	strace $0x8FFFFFFF  }
0x98: {  	s19 =	sld [smem:$0x3FDB];
	_ =	sdelay $0x1  }
0x99: {  	s4 =	simm.s32 $_scs_section_size  }
0x9a: {  	s5 =	simm.s32 $_size__tile_overlayer_lowered;
	s6 =	simm.s32 $_tile_overlayer_lowered  }
0x9b: {  	s22 =	simm.s32 $0x1BFF;
	s21 =	sshll.u32 s6, $0x1;
	s3 =	sadd.s32 s4, s19  }
0x9c: {  	s7 =	simm.s32 $0x0;
	s20 =	sshll.u32 s5, $0x1;
	s5 =	sadd.s32 s21, s3  }
0x9d: {  	[timem:s7], [sflag:s22] =	dma.local [hbm:s5], s20  }
0x9e: {  	_ =	swait.ge [sflag:s22], s20  }
0x9f: {  	s4 =	ssub.s32 $0x0, s20;
	[sflag:s22] =	ssyncset.done $0x0  }
0xa0: {  	[sflag:s22] =	ssyncadd.s32 s4;
	_ =	sdelay $0x1  }
0xa1: {  	s23 =	simm.s32 $0x1B8B  }
0xa2: {  	_ =	swait.ge [sflag:s23], $0x1  }
0xa3: {  	[sflag:s23] =	ssyncset.done $0x0  }
0xa4: {  	s25 =	simm.s32 $0x1B8E;
	s24 =	sld [smem:$0x3FFE];
	[sflag:s23] =	ssyncadd.s32 $0xFFFFFFFF  }
0xa5: {  	s26 =	simm.s32 $execute0_lowered;
	[smem:$0x3FD2] =	sst s25  }
0xa6: {  	s5 =	sshll.u32 s26, $0x1;
	_ =	strace $0x80000046;
	[dreg:$0x1] =	wrdreg $0xFFFFFFFF  }
0xa7: {  	s28 =	simm.s32 $_size_execute0_lowered;
	s3 =	sadd.s32 s3, s5;
	[dreg:$0x0] =	wrdreg $0x0  }
0xa8: {  	s5 =	sshll.u32 s28, $0x1;
	[dreg:$0x2] =	wrdreg s3  }
0xa9: {  	[dreg:$0x3] =	wrdreg s5  }
0xaa: {  	[dreg:$0x4] =	wrdreg $0xC0  }
0xab: {  	_ =	task [dreg:s7], $0x5FFFF  }
0xac: {  	[dreg:$0x1] =	wrdreg $0xFFFFFFFF  }
0xad: {  	[dreg:$0x0] =	wrdreg $0x60  }
0xae: {  	[dreg:$0x2] =	wrdreg s2  }
0xaf: {  	[dreg:$0x3] =	wrdreg s24  }
0xb0: {  	[dreg:$0x4] =	wrdreg $0x9  }
0xb1: {  	_ =	task.clear_ibuf [dreg:s7], $0x5FFFF;
	_ =	strace $0x90000046  }
0xb2: {  	s29 =	simm.s32 $0x9;
	_ =	strace $0x80000048  }
0xb3: {  	_ =	swait.ge [sflag:s29], $0x1  }
0xb4: {  	[sflag:s29] =	ssyncadd.s32 $0xFFFFFFFF  }
0xb5: {  	_ =	strace $0x90000048  }
0xb6: {  	_ =	sfence  }
0xb7: {  	s30 =	sld [smem:$0x0];
	_ =	sdelay $0x2  }
0xb8: {  	s31 =	sshll.u32 s1, $0xD;
	s1 =	sshrl.u32 s1, $0x2  }
0xb9: {  	s3 =	sand.u32 $0x4000, s31;
	s1 =	sadd.s32 s1, s30  }
0xba: {  	s0 =	sor.u32 s3, s0;
	s1 =	sshll.u32 s1, $0x11  }
0xbb: {  	s0 =	sor.u32 s1, s0  }
0xbc: {  	s0 =	sadd.s32 $0x8F2B, s0  }
0xbd: {  	[sflag:s0] =	ssyncadd.remote.s32 $0x1  }
0xbe: {  	_ =	sfence.sel $0xFFFF  }
0xbf: {  	[dreg:$0x0] =	wrdreg $0xFFFFFFFF;
	(pc) =	sbr.abs _section_cstart, $3  }
0xc0: {  	[dreg:$0x1] =	wrdreg $0xFFFFFFFF  }
0xc1: {  	_ =	task.clear_ibuf [dreg:s7], $0x2FFFF;
	_ =	strace $0x9FFFFFFF  }
0xc2: {  	(tm) =	ssettm $0x7FFFFFFF  }
0xc3: {  	_ =	shalt  }
tec
execute0_lowered:
.L_overlay_start_1:
0x0: {  	(tag) =	ssettag $0x1  }
0x1: {  	s0 =	stileid.u32  }
0x2: {  	s5 =	sshrl.u32 s0, $0x2  }
0x3: {  	s1 =	smul.u32 $0xC, s5  }
0x4: {  	s3 =	smul.u32 $0xD, s5  }
0x5: {  	p0 =	slt.u32 s0, $0x8;
	s2 =	sor.u32 $0x2, s1  }
0x6: {  	s2 =	smov.u32 @p0 s3  }
0x7: {  	s6 =	smul.u32 $0x34, s2  }
0x8: {  	s7 =	rddreg [dreg:$0x1];
	s4 =	simm.s32 $0x0;
	s9 =	srdreg.scid  }
0x9: {  	s12 =	simm.s32 $0xC800;
	s13 =	simm.s32 $0x3;
	s6 =	sshrl.u32 s6, $0x8  }
0xa: {  	s14 =	simm.s32 $0x0;
	[smem:$0x7FF] =	sst s4;
	s8 =	smul.u32 $0x5, s6  }
0xb: {  	s10 =	sshll.u32 s0, $0x1;
	s9 =	sand.u32 $0x1, s9;
	s5 =	sshll.u32 s5, $0xD  }
0xc: {  	s10 =	sand.u32 $0x6, s10;
	s6 =	sand.u32 $0xFF, s6;
	s8 =	ssub.s32 s2, s8  }
0xd: {  	s11 =	ssub.s32 $0x2, s9;
	s6 =	smul.u32 $0xFA000, s6;
	s8 =	sand.u32 $0xFF, s8  }
0xe: {  	v0 =	vlaneseq.u32;
	s7 =	sadd.s32 s5, s7;
	s9 =	sor.u32 s9, s10;
	s8 =	smul.u32 $0x32000, s8  }
0xf: {  	v1 =	vshrl.u32 v0, $0x1;
	v2 =	vand.u32 $0x1, v0;
	s31 =	sshrl.u32 s11, $0x1;
	s1 =	rddreg [dreg:$0x2];
	s5 =	sshll.u32 s9, $0xA  }
0x10: {  	v0 =	vmul.u32 $0x400, v1;
	v2 =	vmul.u32 $0xFFFF, v2;
	s10 =	ssub.s32 s11, s31;
	s9 =	sshll.u32 s9, $0xF;
	s6 =	sadd.s32 s8, s6  }
0x11: {  	s11 =	simm.s32 $0x2000;
	s3 =	rddreg [dreg:$0x0];
	s8 =	sor.u32 s5, s6  }
0x12: {  	v1 =	vimm.s32 $0x0;
	v2 =	vadd.s32 $0x1, v2;
	v3 =	vor.u32 $0x2000, v0;
	_ =	strace $0x80000047;
	s6 =	simm.s32 $0xD;
	s8 =	sshrl.u32 s8, $0x3  }
0x13: {  	v4 =	vor.u32 $0x4000, v0;
	v5 =	vor.u32 $0x6000, v0;
	v6 =	vor.u32 $0x8000, v0;
	s9 =	sadd.s32 s9, s7;
	s6 =	simm.s32 @!p0 $0xC;
	s7 =	sadd.s32 s3, s8  }
0x14: {  	v7 =	vor.u32 $0xA000, v0;
	v8 =	vor.u32 $0xC000, v0;
	v9 =	vor.u32 $0xE000, v0;
	s8 =	sadd.s32 $0xA00, s9;
	s9 =	smax.u32 s10, $0x1;
	s10 =	simm.s32 $0x400  }
.LBB2_1:
0x15: {  	[tilespmem:s4], [sflag:$0x1] =	stream.strided.gather [hbm4b:s7+s10], $0x6400, s11, s10, $0x38;
	[tilespmem:$0x1C800] =	vst v63  }
0x16: {  	s15 =	simm.s32 $0xC840  }
0x17: {  	[tilespmem:s15+$0xFFFFFFC0] =	vst v1  }
0x18: {  	[tilespmem:s15+$0x30] =	vst v1  }
0x19: {  	[tilespmem:s15+$0x20] =	vst v1  }
0x1a: {  	[tilespmem:s15+$0x10] =	vst v1  }
0x1b: {  	[tilespmem:s15+$0x0] =	vst v1  }
0x1c: {  	[tilespmem:s15+$0xFFFFFFF0] =	vst v1  }
0x1d: {  	s16 =	simm.s32 $0x0;
	p0 =	por $0x0, $0x0;
	[tilespmem:s15+$0xFFFFFFE0] =	vst v1  }
.LBB2_2:
0x1e: {  	s16 =	sadd.s32 $0x8, s16;
	[tilespmem:s15+$0xFFFFFFD0] =	vst v1;
	s15 =	sadd.s32 $0x80, s15  }
0x1f: {  	[tilespmem:s15+$0xFFFFFFC0] =	vst v1;
	p1 =	slt.u32 s16, $0xFF8  }
0x20: {  	[tilespmem:s15+$0x30] =	vst v1  }
.Ltmp0:
0x21: {  	[tilespmem:s15+$0x20] =	vst v1;
	(pc) =	sbr.rel @p1 .LBB2_2-.Ltmp0, $4  }
0x22: {  	[tilespmem:s15+$0x10] =	vst v1  }
0x23: {  	[tilespmem:s15+$0x0] =	vst v1  }
0x24: {  	[tilespmem:s15+$0xFFFFFFF0] =	vst v1  }
0x25: {  	[tilespmem:s15+$0xFFFFFFE0] =	vst v1  }
0x26: {  	[tilespmem:s15+$0xFFFFFFD0] =	vst v1;
	s15 =	simm.s32 $0x0  }
.LBB2_5:
0x27: {  	s16 =	smov.u32 s15;
	s15 =	sadd.s32 $0x1, s15  }
0x28: {  	p1 =	sge.u32 s15, s6  }
0x29: {  	s17 =	sadd.s32 @!p1 s2, s15  }
0x2a: {  	s18 =	smulhi.u32 @!p1 $0xCCCCCCCD, s17;
	_ =	sdelay $0x1  }
0x2b: {  	s18 =	sshrl.u32 @!p1 s18, $0x2  }
0x2c: {  	s19 =	smul.u32 @!p1 $0x5, s18;
	_ =	sdelay $0x1  }
0x2d: {  	s18 =	smul.u32 @!p1 $0xFA000, s18;
	s17 =	ssub.s32 @!p1 s17, s19  }
0x2e: {  	s20 =	simm.s32 $0x1;
	s17 =	smul.u32 @!p1 $0x32000, s17  }
0x2f: {  	s20 =	simm.s32 @!p0 $0x0;
	s16 =	sand.u32 $0x1, s16  }
0x30: {  	s21 =	simm.s32 @!p1 $0x400;
	s19 =	sand.u32 @!p1 $0x1, s15;
	s17 =	sadd.s32 @!p1 s17, s18  }
0x31: {  	s22 =	simm.s32 @!p1 $0x2000;
	s18 =	smul.u32 @!p1 $0x19000, s19;
	s17 =	sor.u32 @!p1 s5, s17  }
0x32: {  	s29 =	smul.u32 $0x19000, s20;
	s30 =	sadd.s32 $0x1, s16;
	s17 =	sshrl.u32 @!p1 s17, $0x3  }
0x33: {  	s19 =	sadd.s32 @!p1 $0x1, s19;
	s18 =	sshrl.u32 @!p1 s18, $0x2;
	s17 =	sadd.s32 @!p1 s3, s17  }
0x34: {  	[tilespmem:s18], [sflag:s19] =	stream.strided.gather @!p1 [hbm4b:s17+s21], $0x6400, s22, s21, $0x38;
	[tilespmem:$0x1C800] =	vst v63  }
0x35: {  	_ =	swait.ge [sflag:s30], $0x6400  }
0x36: {  	s31 =	sshrl.u32 s29, $0x2;
	[sflag:s30] =	ssyncset.done $0x0  }
0x37: {  	s16 =	sor.u32 $0x100, s31;
	[sflag:s30] =	ssyncadd.s32 $0xFFFF9C00  }
0x38: {  	v10 =	vld [tilespmem:s16+$0x80];
	_ =	sdelay $0x4  }
0x39: {  	v10 =	vadd.s32 v0, v10;
	_ =	sdelay $0x3  }
0x3a: {  	v11 =	vld [tilespmem:s16+$0xFFFFFF00]  }
0x3b: {  	[tilespmem:v10+s12+$0x0] =	vst.idx.add.s32.msk $0xffff, v2  }
0x3c: {  	v10 =	vld [tilespmem:s16+$0x90];
	_ =	sdelay $0x2  }
0x3d: {  	v12 =	vld [tilespmem:s16+$0xFFFFFF80];
	v11 =	vadd.s32 v0, v11;
	_ =	sdelay $0x1  }
0x3e: {  	v13 =	vld [tilespmem:s16+$0x0];
	v10 =	vadd.s32 v3, v10;
	_ =	sdelay $0x2  }
0x3f: {  	v12 =	vadd.s32 v0, v12;
	[tilespmem:v11+s12+$0x0] =	vst.idx.add.s32.msk $0xffff, v2  }
0x40: {  	v11 =	vld [tilespmem:s16+$0xFFFFFF10]  }
0x41: {  	[tilespmem:v10+s12+$0x0] =	vst.idx.add.s32.msk $0xffff, v2;
	v10 =	vadd.s32 v0, v13  }
0x42: {  	v13 =	vld [tilespmem:s16+$0xA0];
	_ =	sdelay $0x1  }
0x43: {  	[tilespmem:v12+s12+$0x0] =	vst.idx.add.s32.msk $0xffff, v2  }
0x44: {  	v12 =	vld [tilespmem:s16+$0xFFFFFF90];
	v11 =	vadd.s32 v3, v11  }
0x45: {  	[tilespmem:v10+s12+$0x0] =	vst.idx.add.s32.msk $0xffff, v2  }
0x46: {  	v10 =	vadd.s32 v4, v13;
	v13 =	vld [tilespmem:s16+$0x10];
	_ =	sdelay $0x2  }
0x47: {  	v12 =	vadd.s32 v3, v12;
	[tilespmem:v11+s12+$0x0] =	vst.idx.add.s32.msk $0xffff, v2  }
0x48: {  	v11 =	vld [tilespmem:s16+$0xFFFFFF20]  }
0x49: {  	[tilespmem:v10+s12+$0x0] =	vst.idx.add.s32.msk $0xffff, v2;
	v10 =	vadd.s32 v3, v13  }
0x4a: {  	v13 =	vld [tilespmem:s16+$0xB0];
	_ =	sdelay $0x1  }
0x4b: {  	[tilespmem:v12+s12+$0x0] =	vst.idx.add.s32.msk $0xffff, v2  }
0x4c: {  	v12 =	vld [tilespmem:s16+$0xFFFFFFA0];
	v11 =	vadd.s32 v4, v11  }
0x4d: {  	[tilespmem:v10+s12+$0x0] =	vst.idx.add.s32.msk $0xffff, v2  }
0x4e: {  	v10 =	vadd.s32 v5, v13;
	v13 =	vld [tilespmem:s16+$0x20];
	_ =	sdelay $0x2  }
0x4f: {  	v12 =	vadd.s32 v4, v12;
	[tilespmem:v11+s12+$0x0] =	vst.idx.add.s32.msk $0xffff, v2  }
0x50: {  	v11 =	vld [tilespmem:s16+$0xFFFFFF30]  }
0x51: {  	[tilespmem:v10+s12+$0x0] =	vst.idx.add.s32.msk $0xffff, v2;
	v10 =	vadd.s32 v4, v13  }
0x52: {  	v13 =	vld [tilespmem:s16+$0xC0];
	_ =	sdelay $0x1  }
0x53: {  	[tilespmem:v12+s12+$0x0] =	vst.idx.add.s32.msk $0xffff, v2  }
0x54: {  	v12 =	vld [tilespmem:s16+$0xFFFFFFB0];
	v11 =	vadd.s32 v5, v11  }
0x55: {  	[tilespmem:v10+s12+$0x0] =	vst.idx.add.s32.msk $0xffff, v2  }
0x56: {  	v10 =	vadd.s32 v6, v13;
	v13 =	vld [tilespmem:s16+$0x30];
	_ =	sdelay $0x2  }
0x57: {  	v12 =	vadd.s32 v5, v12;
	[tilespmem:v11+s12+$0x0] =	vst.idx.add.s32.msk $0xffff, v2  }
0x58: {  	v11 =	vld [tilespmem:s16+$0xFFFFFF40]  }
0x59: {  	[tilespmem:v10+s12+$0x0] =	vst.idx.add.s32.msk $0xffff, v2;
	v10 =	vadd.s32 v5, v13;
	_ =	sdelay $0x1  }
0x5a: {  	v13 =	vld [tilespmem:s16+$0xD0]  }
0x5b: {  	[tilespmem:v12+s12+$0x0] =	vst.idx.add.s32.msk $0xffff, v2  }
0x5c: {  	v14 =	vld [tilespmem:s16+$0xFFFFFFC0]  }
0x5d: {  	v11 =	vadd.s32 v6, v11;
	[tilespmem:v10+s12+$0x0] =	vst.idx.add.s32.msk $0xffff, v2  }
0x5e: {  	v12 =	vld [tilespmem:s16+$0x40]  }
0x5f: {  	v10 =	vadd.s32 v7, v13;
	_ =	sdelay $0x2  }
0x60: {  	s17 =	simm.s32 $0x0;
	s18 =	sadd.s32 $0x200, s16;
	[tilespmem:v11+s12+$0x0] =	vst.idx.add.s32.msk $0xffff, v2;
	v11 =	vadd.s32 v6, v14  }
.LBB2_6:
0x61: {  	v13 =	vld [tilespmem:s18+$0x80];
	s17 =	sadd.s32 $0x4, s17;
	v12 =	vadd.s32 v6, v12  }
0x62: {  	p1 =	slt.u32 s17, $0xC4;
	[tilespmem:v10+s12+$0x0] =	vst.idx.add.s32.msk $0xffff, v2  }
0x63: {  	v10 =	vld [tilespmem:s16+$0xE0]  }
0x64: {  	v14 =	vld [tilespmem:s18+$0xFFFFFF80]  }
0x65: {  	v15 =	vld [tilespmem:s18+$0x0]  }
0x66: {  	v16 =	vld [tilespmem:s18+$0xFFFFFF00];
	v13 =	vadd.s32 v0, v13  }
0x67: {  	[tilespmem:v11+s12+$0x0] =	vst.idx.add.s32.msk $0xffff, v2  }
0x68: {  	[tilespmem:v12+s12+$0x0] =	vst.idx.add.s32.msk $0xffff, v2;
	v10 =	vadd.s32 v8, v10  }
0x69: {  	v11 =	vadd.s32 v0, v14;
	v12 =	vld [tilespmem:s16+$0xFFFFFF50]  }
0x6a: {  	v14 =	vadd.s32 v0, v15;
	v15 =	vld [tilespmem:s16+$0xFFFFFFD0]  }
0x6b: {  	v16 =	vadd.s32 v0, v16;
	[tilespmem:v13+s12+$0x0] =	vst.idx.add.s32.msk $0xffff, v2  }
0x6c: {  	v13 =	vld [tilespmem:s18+$0x90]  }
0x6d: {  	[tilespmem:v10+s12+$0x0] =	vst.idx.add.s32.msk $0xffff, v2  }
0x6e: {  	v10 =	vadd.s32 v7, v12;
	v12 =	vld [tilespmem:s16+$0xF0]  }
0x6f: {  	[tilespmem:v11+s12+$0x0] =	vst.idx.add.s32.msk $0xffff, v2;
	v11 =	vadd.s32 v7, v15  }
0x70: {  	[tilespmem:v16+s12+$0x0] =	vst.idx.add.s32.msk $0xffff, v2  }
0x71: {  	[tilespmem:v14+s12+$0x0] =	vst.idx.add.s32.msk $0xffff, v2;
	v13 =	vadd.s32 v3, v13  }
0x72: {  	v14 =	vld [tilespmem:s18+$0xFFFFFF10]  }
0x73: {  	v15 =	vld [tilespmem:s18+$0xFFFFFF90];
	v12 =	vadd.s32 v9, v12  }
0x74: {  	v16 =	vld [tilespmem:s18+$0x10]  }
0x75: {  	v17 =	vld [tilespmem:s16+$0x50]  }
0x76: {  	[tilespmem:v13+s12+$0x0] =	vst.idx.add.s32.msk $0xffff, v2  }
0x77: {  	v13 =	vadd.s32 v3, v14;
	v14 =	vld [tilespmem:s18+$0xA0]  }
0x78: {  	v15 =	vadd.s32 v3, v15;
	[tilespmem:v12+s12+$0x0] =	vst.idx.add.s32.msk $0xffff, v2  }
0x79: {  	v12 =	vadd.s32 v3, v16;
	[tilespmem:v10+s12+$0x0] =	vst.idx.add.s32.msk $0xffff, v2  }
0x7a: {  	[tilespmem:v11+s12+$0x0] =	vst.idx.add.s32.msk $0xffff, v2;
	v10 =	vadd.s32 v7, v17  }
0x7b: {  	v11 =	vld [tilespmem:s16+$0xFFFFFF60]  }
0x7c: {  	[tilespmem:v13+s12+$0x0] =	vst.idx.add.s32.msk $0xffff, v2;
	v13 =	vadd.s32 v4, v14  }
0x7d: {  	[tilespmem:v15+s12+$0x0] =	vst.idx.add.s32.msk $0xffff, v2  }
0x7e: {  	[tilespmem:v12+s12+$0x0] =	vst.idx.add.s32.msk $0xffff, v2  }
0x7f: {  	v12 =	vld [tilespmem:s18+$0xFFFFFF20]  }
0x80: {  	v14 =	vld [tilespmem:s18+$0xFFFFFFA0];
	v11 =	vadd.s32 v8, v11  }
0x81: {  	[tilespmem:v13+s12+$0x0] =	vst.idx.add.s32.msk $0xffff, v2  }
0x82: {  	v13 =	vld [tilespmem:s18+$0xB0]  }
0x83: {  	v15 =	vld [tilespmem:s18+$0x20]  }
0x84: {  	v12 =	vadd.s32 v4, v12;
	[tilespmem:v10+s12+$0x0] =	vst.idx.add.s32.msk $0xffff, v2  }
0x85: {  	v10 =	vadd.s32 v4, v14;
	v14 =	vld [tilespmem:s16+$0xFFFFFFE0]  }
0x86: {  	v16 =	vld [tilespmem:s16+$0x60]  }
0x87: {  	v13 =	vadd.s32 v5, v13;
	[tilespmem:v11+s12+$0x0] =	vst.idx.add.s32.msk $0xffff, v2  }
0x88: {  	v11 =	vadd.s32 v4, v15;
	v15 =	vld [tilespmem:s16+$0xFFFFFF70]  }
0x89: {  	[tilespmem:v12+s12+$0x0] =	vst.idx.add.s32.msk $0xffff, v2  }
0x8a: {  	[tilespmem:v10+s12+$0x0] =	vst.idx.add.s32.msk $0xffff, v2;
	v10 =	vadd.s32 v8, v14  }
0x8b: {  	v12 =	vld [tilespmem:s18+$0xFFFFFF30];
	v14 =	vadd.s32 v8, v16  }
0x8c: {  	[tilespmem:v13+s12+$0x0] =	vst.idx.add.s32.msk $0xffff, v2  }
0x8d: {  	v13 =	vld [tilespmem:s18+$0xC0];
	v15 =	vadd.s32 v9, v15  }
0x8e: {  	[tilespmem:v11+s12+$0x0] =	vst.idx.add.s32.msk $0xffff, v2  }
0x8f: {  	v11 =	vld [tilespmem:s18+$0xFFFFFFB0]  }
0x90: {  	v12 =	vadd.s32 v5, v12;
	v16 =	vld [tilespmem:s18+$0x30]  }
0x91: {  	[tilespmem:v10+s12+$0x0] =	vst.idx.add.s32.msk $0xffff, v2  }
0x92: {  	v10 =	vadd.s32 v6, v13;
	[tilespmem:v14+s12+$0x0] =	vst.idx.add.s32.msk $0xffff, v2  }
0x93: {  	v13 =	vld [tilespmem:s16+$0xFFFFFFF0]  }
0x94: {  	v11 =	vadd.s32 v5, v11;
	v14 =	vld [tilespmem:s16+$0x70];
	s16 =	smov.u32 s18  }
0x95: {  	[tilespmem:v12+s12+$0x0] =	vst.idx.add.s32.msk $0xffff, v2;
	v12 =	vadd.s32 v5, v16  }
0x96: {  	v16 =	vld [tilespmem:s18+$0xFFFFFF40]  }
0x97: {  	[tilespmem:v10+s12+$0x0] =	vst.idx.add.s32.msk $0xffff, v2  }
0x98: {  	v10 =	vld [tilespmem:s18+$0xD0];
	v13 =	vadd.s32 v9, v13  }
0x99: {  	[tilespmem:v11+s12+$0x0] =	vst.idx.add.s32.msk $0xffff, v2;
	v11 =	vadd.s32 v9, v14  }
0x9a: {  	[tilespmem:v12+s12+$0x0] =	vst.idx.add.s32.msk $0xffff, v2  }
0x9b: {  	v14 =	vadd.s32 v6, v16;
	v16 =	vld [tilespmem:s18+$0xFFFFFFC0]  }
.Ltmp1:
0x9c: {  	v12 =	vld [tilespmem:s18+$0x40];
	(pc) =	sbr.rel @p1 .LBB2_6-.Ltmp1, $4  }
0x9d: {  	v10 =	vadd.s32 v7, v10;
	[tilespmem:v15+s12+$0x0] =	vst.idx.add.s32.msk $0xffff, v2  }
0x9e: {  	[tilespmem:v13+s12+$0x0] =	vst.idx.add.s32.msk $0xffff, v2  }
0x9f: {  	[tilespmem:v11+s12+$0x0] =	vst.idx.add.s32.msk $0xffff, v2  }
0xa0: {  	s18 =	sadd.s32 $0x200, s18;
	[tilespmem:v14+s12+$0x0] =	vst.idx.add.s32.msk $0xffff, v2;
	v11 =	vadd.s32 v6, v16  }
0xa1: {  	_ =	sdelay $0x1  }
0xa2: {  	v12 =	vadd.s32 v6, v12;
	_ =	sdelay $0x1  }
0xa3: {  	[tilespmem:v11+s12+$0x0] =	vst.idx.add.s32.msk $0xffff, v2  }
0xa4: {  	v11 =	vld [tilespmem:s16+$0xFFFFFF50]  }
0xa5: {  	v13 =	vld [tilespmem:s16+$0xFFFFFFD0]  }
0xa6: {  	[tilespmem:v12+s12+$0x0] =	vst.idx.add.s32.msk $0xffff, v2  }
0xa7: {  	v12 =	vld [tilespmem:s16+$0x50];
	_ =	sdelay $0x1  }
0xa8: {  	v11 =	vadd.s32 v7, v11  }
0xa9: {  	v13 =	vadd.s32 v7, v13;
	_ =	sdelay $0x1  }
0xaa: {  	[tilespmem:v10+s12+$0x0] =	vst.idx.add.s32.msk $0xffff, v2;
	v10 =	vadd.s32 v7, v12  }
0xab: {  	v60 =	vld [tilespmem:s16+$0xE0]  }
0xac: {  	[tilespmem:v11+s12+$0x0] =	vst.idx.add.s32.msk $0xffff, v2  }
0xad: {  	[tilespmem:v13+s12+$0x0] =	vst.idx.add.s32.msk $0xffff, v2  }
0xae: {  	v11 =	vld [tilespmem:s16+$0xFFFFFF60]  }
0xaf: {  	[tilespmem:v10+s12+$0x0] =	vst.idx.add.s32.msk $0xffff, v2  }
0xb0: {  	v10 =	vld [tilespmem:s16+$0xFFFFFFE0]  }
0xb1: {  	v12 =	vadd.s32 v8, v60;
	v61 =	vld [tilespmem:s16+$0x60];
	_ =	sdelay $0x1  }
0xb2: {  	v11 =	vadd.s32 v8, v11;
	_ =	sdelay $0x1  }
0xb3: {  	v10 =	vadd.s32 v8, v10  }
0xb4: {  	[tilespmem:v12+s12+$0x0] =	vst.idx.add.s32.msk $0xffff, v2;
	v62 =	vadd.s32 v8, v61  }
0xb5: {  	v63 =	vld [tilespmem:s16+$0xF0]  }
0xb6: {  	[tilespmem:v11+s12+$0x0] =	vst.idx.add.s32.msk $0xffff, v2  }
0xb7: {  	v11 =	vld [tilespmem:s16+$0xFFFFFF70]  }
0xb8: {  	[tilespmem:v10+s12+$0x0] =	vst.idx.add.s32.msk $0xffff, v2  }
0xb9: {  	[tilespmem:v62+s12+$0x0] =	vst.idx.add.s32.msk $0xffff, v2  }
0xba: {  	v10 =	vld [tilespmem:s16+$0xFFFFFFF0]  }
0xbb: {  	v12 =	vld [tilespmem:s16+$0x70];
	_ =	sdelay $0x1  }
0xbc: {  	v13 =	vadd.s32 v9, v63  }
0xbd: {  	v11 =	vadd.s32 v9, v11  }
0xbe: {  	v10 =	vadd.s32 v9, v10  }
0xbf: {  	v12 =	vadd.s32 v9, v12;
	_ =	sdelay $0x1  }
0xc0: {  	[tilespmem:v13+s12+$0x0] =	vst.idx.add.s32.msk $0xffff, v2  }
0xc1: {  	[tilespmem:v11+s12+$0x0] =	vst.idx.add.s32.msk $0xffff, v2  }
0xc2: {  	[tilespmem:v10+s12+$0x0] =	vst.idx.add.s32.msk $0xffff, v2  }
0xc3: {  	[tilespmem:v12+s12+$0x0] =	vst.idx.add.s32.msk $0xffff, v2  }
0xc4: {  	p1 =	seq.s32 s15, s6  }
.Ltmp2:
0xc5: {  	_ = 	snop;
	(pc) =	sbr.rel @!p1 .LBB2_5-.Ltmp2, $2  }
0xc6: {  	_ =	sdelay $0x2  }
0xc7: {  	p0 =	por !p0, !p0  }
0xc8: {  	s14 =	sadd.s32 $0x1, s14  }
0xc9: {  	p0 =	sne.s32 s14, s9  }
.Ltmp3:
0xca: {  	_ = 	snop;
	(pc) =	sbr.rel @p0 .LBB2_1-.Ltmp3, $4  }
0xcb: {  	[hbm4b:s8+s4] =	stream.linear.scatter [tilespmem:s12], [sflag:$0x3], $0x10000, $0x38;
	[tilespmem:$0x1C800] =	vst v63  }
0xcc: {  	_ =	swait.ge [sflag:s13], $0x10000  }
0xcd: {  	[sflag:s13] =	ssyncset.done $0x0  }
0xce: {  	[sflag:s13] =	ssyncadd.s32 $0xFFFF0000  }
0xcf: {  	_ =	sfence.sel $0x180000  }
0xd0: {  	[bflag:$0x0] =	sbarrier.arrive $0xFFFF  }
0xd1: {  	p0 =	sne.s32 s0, $0x0;
	_ =	strace $0x90000047  }
0xd2: {  	s0 =	sadd.s32 @!p0 $0x100000, s1;
	[bflag:$0x2] =	sbarrier.arrive $0xFFFF  }
0xd3: {  	[sflag:s0] =	ssyncadd.tile.s32 @!p0 $0x1;
	_ =	shalt  }
.Lfunc_end2:
_tile_overlayer_lowered:
.L_overlay_start_2:
0xd4: {  	(tag) =	ssettag $0x2  }
0xd5: {  	s0 =	rddreg [dreg:$0x0];
	s2 =	stileid.u32  }
0xd6: {  	s1 =	rddreg [dreg:$0x1];
	p0 =	sne.s32 s2, $0x0  }
0xd7: {  	s3 =	rddreg [dreg:$0x2];
	[bflag:$0x3] =	sbarrier.arrive $0xFFFF;
	s2 =	simm.s32 @!p0 $0x1C03  }
0xd8: {  	[timem:s3], [sflag:s2] =	dma.local @!p0 [hbm:s0], s1  }
0xd9: {  	s0 =	simm.s32 @!p0 $0x3  }
0xda: {  	_ =	swait.ge @!p0 [sflag:s0], s1  }
0xdb: {  	s1 =	ssub.s32 @!p0 $0x0, s1;
	[sflag:s0] =	ssyncset.done @!p0 $0x0  }
0xdc: {  	[sflag:s0] =	ssyncadd.s32 @!p0 s1  }
0xdd: {  	[bflag:$0x3] =	sbarrier.arrive $0xFFFF  }
0xde: {  	_ =	shalt  }

</sc_bundles>
